<compile_context>
chip_gen: v7x
topology: tpu7x:2x2x1
jax: 0.10.2.dev20260603
libtpu: 0.0.44.dev20260713+nightly
codegen_flags: <defaults>
</compile_context>

<pallas_src>
import functools

import jax
import jax.numpy as jnp
from jax import lax
from jax.experimental import pallas as pl
from jax.experimental.pallas import tpu as pltpu
from jax.experimental.pallas import tpu_sc as plsc

_NC, _NS, _L = 2, 16, 16
_NW = _NC * _NS
_ROWS = 16384
_COLS = 4096
_K = 128
_RPW = _ROWS // _NW
_RB = 8
_NBLK = _RPW // _RB
_NCHUNK = _COLS // _L


@functools.partial(
    pl.kernel,
    out_type=jax.ShapeDtypeStruct((_ROWS, _COLS), jnp.float32),
    name="sc_coeff_expand",
    compiler_params=pltpu.CompilerParams(needs_layout_passes=False),
    mesh=plsc.VectorSubcoreMesh(core_axis_name="c", subcore_axis_name="s"),
    scratch_types=[
        pltpu.VMEM((_COLS,), jnp.int32),
        pltpu.VMEM((_RB * _K,), jnp.float32),
        pltpu.VMEM((_RB * _K,), jnp.float32),
        pltpu.VMEM((_RB, _COLS), jnp.float32),
        pltpu.VMEM((_RB, _COLS), jnp.float32),
        pltpu.SemaphoreType.DMA,
        pltpu.SemaphoreType.DMA,
        pltpu.SemaphoreType.DMA,
        pltpu.SemaphoreType.DMA,
    ],
)
def _sc_expand(x_hbm, mask_hbm, out_hbm, mask_v, x0, x1, o0, o1,
               sx0, sx1, so0, so1):
    wid = lax.axis_index("s") * _NC + lax.axis_index("c")
    base = wid * _RPW
    pltpu.sync_copy(mask_hbm, mask_v)

    xb = (x0, x1)
    ob = (o0, o1)
    sx = (sx0, sx1)
    so = (so0, so1)

    def x_src(b):
        return x_hbm.at[pl.ds((base + b * _RB) * _K, _RB * _K)]

    def out_dst(b):
        return out_hbm.at[pl.ds(base + b * _RB, _RB)]

    pltpu.async_copy(x_src(0), x0, sx0)
    pltpu.async_copy(x_src(1), x1, sx1)

    def step(t, carry):
        for p in range(2):
            b = 2 * t + p
            x_ref, out_ref = xb[p], ob[p]

            @pl.when(b >= 2)
            def _():
                pltpu.make_async_copy(out_ref, out_dst(b - 2), so[p]).wait()

            pltpu.make_async_copy(x_src(b), x_ref, sx[p]).wait()

            @plsc.parallel_loop(0, _NCHUNK // 2, unroll=2)
            def _(j):
                m = mask_v[pl.ds(j * _L, _L)]
                for r in range(_RB):
                    out_ref[r, pl.ds(j * _L, _L)] = plsc.load_gather(
                        x_ref, [m + (r * _K)])

            @pl.when(b + 2 < _NBLK)
            def _():
                pltpu.async_copy(x_src(b + 2), x_ref, sx[p])

            pltpu.async_copy(out_ref, out_dst(b), so[p])
        return carry

    lax.fori_loop(0, _NBLK // 2, step, 0)
    pltpu.make_async_copy(o0, out_dst(_NBLK - 2), so0).wait()
    pltpu.make_async_copy(o1, out_dst(_NBLK - 1), so1).wait()


def kernel(x, mask):
    return _sc_expand(x.reshape(-1), mask)

# --- scband reference (transcript-rebuilt; emitter-appended) ---
"""Pipeline reference for scband-expand-coeff-28887950032907 (READ-ONLY COPY).

The authoritative reference and input builder live on the scoring server;
editing this copy changes nothing except your own understanding.
"""

import jax, jax.numpy as jnp
import numpy as np


def coeff_expand(x, mask):
    # Expand compact coefficient vector along last axis according to integer mask:
    # out[..., i] = x[..., mask[i]]
    return jnp.take(x, mask, axis=-1)


def setup_inputs(seed: int = 0) -> dict:
    key = jax.random.key(seed)
    k1, k2 = jax.random.split(key)
    x = jax.random.normal(k1, (16384, 128), dtype=jnp.float32)
    mask = jax.random.randint(k2, (4096,), 0, 128, dtype=jnp.int32)
    return {"x": x, "mask": mask}


def reference(x, mask):
    return coeff_expand(x, mask)

if __name__ == "__main__":
    import jax
    _d = setup_inputs()
    print(jax.jit(kernel)(*tuple(_d.values())))

</pallas_src>

<mosaic_0001>
#map = affine_map<(d0, d1) -> (0)>
#map1 = affine_map<(d0, d1) -> (0, 0)>
module attributes {stable_mosaic.version = 14 : i64} {
  func.func @sc_coeff_expand(%arg0: i32, %arg1: i32, %arg2: memref<2097152xf32, #tpu.memory_space<hbm>>, %arg3: memref<4096xi32, #tpu.memory_space<hbm>>, %arg4: memref<16384x4096xf32, #tpu.memory_space<hbm>>, %arg5: memref<4096xi32, #tpu.memory_space<vmem>>, %arg6: memref<1024xf32, #tpu.memory_space<vmem>>, %arg7: memref<1024xf32, #tpu.memory_space<vmem>>, %arg8: memref<8x4096xf32, #tpu.memory_space<vmem>>, %arg9: memref<8x4096xf32, #tpu.memory_space<vmem>>, %arg10: memref<!tpu.dma_semaphore, #tpu.memory_space<semaphore_mem>>, %arg11: memref<!tpu.dma_semaphore, #tpu.memory_space<semaphore_mem>>, %arg12: memref<!tpu.dma_semaphore, #tpu.memory_space<semaphore_mem>>, %arg13: memref<!tpu.dma_semaphore, #tpu.memory_space<semaphore_mem>>) attributes {dimension_semantics = [#tpu.dimension_semantics<core_parallel>, #tpu.dimension_semantics<subcore_parallel>], iteration_bounds = array<i64: 2, 16>, scalar_prefetch = 0 : i64, scratch_operands = 9 : i64, tpu.core_type = #tpu.core_type<sc_vector_subcore>, window_params = [{transform_indices = #map}, {transform_indices = #map}, {transform_indices = #map1}]} {
    %mul3A = arith.constant 2 : i32
    %mul3A_0 = arith.muli %arg1, %mul3A : i32
    %add3A = arith.addi %mul3A_0, %arg0 : i32
    %mul3A_1 = arith.constant 512 : i32
    %mul3A_2 = arith.muli %add3A, %mul3A_1 : i32
    "tpu.region"() ({
      %run_scoped3A = tpu.sem_alloc : memref<!tpu.dma_semaphore, #tpu.memory_space<semaphore_mem>>
      tpu.enqueue_dma source(%arg3 : memref<4096xi32, #tpu.memory_space<hbm>>) target(%arg5 : memref<4096xi32, #tpu.memory_space<vmem>>) target_semaphore(%run_scoped3A : memref<!tpu.dma_semaphore, #tpu.memory_space<semaphore_mem>>)
      tpu.wait_dma2 semaphore(%run_scoped3A : memref<!tpu.dma_semaphore, #tpu.memory_space<semaphore_mem>>) src(%arg3 : memref<4096xi32, #tpu.memory_space<hbm>>) dst(%arg5 : memref<4096xi32, #tpu.memory_space<vmem>>)
      tpu.yield
    }) : () -> ()
    %add3A_3 = arith.constant 0 : i32
    %add3A_4 = arith.addi %mul3A_2, %add3A_3 : i32
    %mul3A_5 = arith.constant 128 : i32
    %mul3A_6 = arith.muli %add3A_4, %mul3A_5 : i32
    %dma_start3A = tpu.memref_slice %arg2[%mul3A_6] : memref<2097152xf32, #tpu.memory_space<hbm>> -> memref<1024xf32, #tpu.memory_space<hbm>>
    %dma_start3A_7 = tpu.memref_slice %arg2[%mul3A_6] : memref<2097152xf32, #tpu.memory_space<hbm>> -> memref<1024xf32, #tpu.memory_space<hbm>>
    tpu.enqueue_dma source(%dma_start3A_7 : memref<1024xf32, #tpu.memory_space<hbm>>) target(%arg6 : memref<1024xf32, #tpu.memory_space<vmem>>) target_semaphore(%arg10 : memref<!tpu.dma_semaphore, #tpu.memory_space<semaphore_mem>>)
    %add3A_8 = arith.constant 8 : i32
    %add3A_9 = arith.addi %mul3A_2, %add3A_8 : i32
    %mul3A_10 = arith.constant 128 : i32
    %mul3A_11 = arith.muli %add3A_9, %mul3A_10 : i32
    %dma_start3A_12 = tpu.memref_slice %arg2[%mul3A_11] : memref<2097152xf32, #tpu.memory_space<hbm>> -> memref<1024xf32, #tpu.memory_space<hbm>>
    %dma_start3A_13 = tpu.memref_slice %arg2[%mul3A_11] : memref<2097152xf32, #tpu.memory_space<hbm>> -> memref<1024xf32, #tpu.memory_space<hbm>>
    tpu.enqueue_dma source(%dma_start3A_13 : memref<1024xf32, #tpu.memory_space<hbm>>) target(%arg7 : memref<1024xf32, #tpu.memory_space<vmem>>) target_semaphore(%arg11 : memref<!tpu.dma_semaphore, #tpu.memory_space<semaphore_mem>>)
    %scan3A = arith.constant 0 : i32
    %scan3A_14 = arith.constant 0 : i32
    %scan3A_15 = arith.constant 32 : i32
    %scan3A_16 = arith.addi %scan3A_14, %scan3A_15 : i32
    %scan3A_17 = arith.constant 1 : i32
    scf.for %scan3A_30 = %scan3A_14 to %scan3A_16 step %scan3A_17  : i32 {
      %mul3A_31 = arith.constant 2 : i32
      %mul3A_32 = arith.muli %mul3A_31, %scan3A_30 : i32
      %add3A_33 = arith.constant 0 : i32
      %add3A_34 = arith.addi %mul3A_32, %add3A_33 : i32
      %ge3A = arith.constant 2 : i32
      %ge3A_35 = arith.cmpi sge, %add3A_34, %ge3A : i32
      %convert_element_type3A = arith.extui %ge3A_35 : i1 to i32
      %cond3A = arith.constant 0 : i32
      %cond3A_36 = arith.cmpi ne, %convert_element_type3A, %cond3A : i32
      scf.if %cond3A_36 {
        %sub3A = arith.constant 2 : i32
        %sub3A_92 = arith.subi %add3A_34, %sub3A : i32
        %mul3A_93 = arith.constant 8 : i32
        %mul3A_94 = arith.muli %sub3A_92, %mul3A_93 : i32
        %add3A_95 = arith.addi %mul3A_2, %mul3A_94 : i32
        %dma_wait3A_96 = arith.constant 0 : i32
        %dma_wait3A_97 = tpu.memref_slice %arg4[%add3A_95, %dma_wait3A_96] : memref<16384x4096xf32, #tpu.memory_space<hbm>> -> memref<8x4096xf32, #tpu.memory_space<hbm>>
        %dma_wait3A_98 = arith.constant 0 : i32
        %dma_wait3A_99 = tpu.memref_slice %arg4[%add3A_95, %dma_wait3A_98] : memref<16384x4096xf32, #tpu.memory_space<hbm>> -> memref<8x4096xf32, #tpu.memory_space<hbm>>
        tpu.wait_dma2 semaphore(%arg12 : memref<!tpu.dma_semaphore, #tpu.memory_space<semaphore_mem>>) src(%arg8 : memref<8x4096xf32, #tpu.memory_space<vmem>>) dst(%dma_wait3A_99 : memref<8x4096xf32, #tpu.memory_space<hbm>>)
      } else {
      }
      %mul3A_37 = arith.constant 8 : i32
      %mul3A_38 = arith.muli %add3A_34, %mul3A_37 : i32
      %add3A_39 = arith.addi %mul3A_2, %mul3A_38 : i32
      %mul3A_40 = arith.constant 128 : i32
      %mul3A_41 = arith.muli %add3A_39, %mul3A_40 : i32
      %dma_wait3A_42 = tpu.memref_slice %arg2[%mul3A_41] : memref<2097152xf32, #tpu.memory_space<hbm>> -> memref<1024xf32, #tpu.memory_space<hbm>>
      %dma_wait3A_43 = tpu.memref_slice %arg2[%mul3A_41] : memref<2097152xf32, #tpu.memory_space<hbm>> -> memref<1024xf32, #tpu.memory_space<hbm>>
      tpu.wait_dma2 semaphore(%arg10 : memref<!tpu.dma_semaphore, #tpu.memory_space<semaphore_mem>>) src(%dma_wait3A_43 : memref<1024xf32, #tpu.memory_space<hbm>>) dst(%arg6 : memref<1024xf32, #tpu.memory_space<vmem>>)
      %parallel_loop3A = arith.constant 0 : i32
      %parallel_loop3A_44 = arith.constant 128 : i32
      %parallel_loop3A_45 = arith.constant 1 : i32
      scf.for %parallel_loop3A_92 = %parallel_loop3A to %parallel_loop3A_44 step %parallel_loop3A_45  : i32 {
        %parallel_loop3A_93 = arith.constant 16 : i32
        %parallel_loop3A_94 = arith.muli %parallel_loop3A_92, %parallel_loop3A_93 : i32
        %parallel_loop3A_95 = arith.index_cast %parallel_loop3A_94 : i32 to index
        %parallel_loop3A_96 = tpu.vector_load %arg5[%parallel_loop3A_95] {strides = array<i32>} : memref<4096xi32, #tpu.memory_space<vmem>>, vector<16xi32>,
        %parallel_loop3A_97 = arith.constant 0 : i32
        %parallel_loop3A_98 = vector.broadcast %parallel_loop3A_97 : i32 to vector<16xi32>
        %parallel_loop3A_99 = arith.addi %parallel_loop3A_96, %parallel_loop3A_98 : vector<16xi32>
        %parallel_loop3A_100 = tpu.vector_load_idx %arg6[%parallel_loop3A_99] : memref<1024xf32, #tpu.memory_space<vmem>>[vector<16xi32>], vector<16xf32>,
        %parallel_loop3A_101 = arith.constant 16 : i32
        %parallel_loop3A_102 = arith.muli %parallel_loop3A_92, %parallel_loop3A_101 : i32
        %parallel_loop3A_103 = arith.constant 0 : i32
        %parallel_loop3A_104 = arith.index_cast %parallel_loop3A_103 : i32 to index
        %parallel_loop3A_105 = arith.index_cast %parallel_loop3A_102 : i32 to index
        %parallel_loop3A_106 = tpu.vector_load %arg8[%parallel_loop3A_104, %parallel_loop3A_105] {strides = array<i32>} : memref<8x4096xf32, #tpu.memory_space<vmem>>, vector<16xf32>,
        tpu.vector_store %arg8[%parallel_loop3A_104, %parallel_loop3A_105], %parallel_loop3A_100 {strides = array<i32>} : memref<8x4096xf32, #tpu.memory_space<vmem>>, vector<16xf32>,
        %parallel_loop3A_107 = arith.constant 128 : i32
        %parallel_loop3A_108 = vector.broadcast %parallel_loop3A_107 : i32 to vector<16xi32>
        %parallel_loop3A_109 = arith.addi %parallel_loop3A_96, %parallel_loop3A_108 : vector<16xi32>
        %parallel_loop3A_110 = tpu.vector_load_idx %arg6[%parallel_loop3A_109] : memref<1024xf32, #tpu.memory_space<vmem>>[vector<16xi32>], vector<16xf32>,
        %parallel_loop3A_111 = arith.constant 16 : i32
        %parallel_loop3A_112 = arith.muli %parallel_loop3A_92, %parallel_loop3A_111 : i32
        %parallel_loop3A_113 = arith.constant 1 : i32
        %parallel_loop3A_114 = arith.index_cast %parallel_loop3A_113 : i32 to index
        %parallel_loop3A_115 = arith.index_cast %parallel_loop3A_112 : i32 to index
        %parallel_loop3A_116 = tpu.vector_load %arg8[%parallel_loop3A_114, %parallel_loop3A_115] {strides = array<i32>} : memref<8x4096xf32, #tpu.memory_space<vmem>>, vector<16xf32>,
        tpu.vector_store %arg8[%parallel_loop3A_114, %parallel_loop3A_115], %parallel_loop3A_110 {strides = array<i32>} : memref<8x4096xf32, #tpu.memory_space<vmem>>, vector<16xf32>,
        %parallel_loop3A_117 = arith.constant 256 : i32
        %parallel_loop3A_118 = vector.broadcast %parallel_loop3A_117 : i32 to vector<16xi32>
        %parallel_loop3A_119 = arith.addi %parallel_loop3A_96, %parallel_loop3A_118 : vector<16xi32>
        %parallel_loop3A_120 = tpu.vector_load_idx %arg6[%parallel_loop3A_119] : memref<1024xf32, #tpu.memory_space<vmem>>[vector<16xi32>], vector<16xf32>,
        %parallel_loop3A_121 = arith.constant 16 : i32
        %parallel_loop3A_122 = arith.muli %parallel_loop3A_92, %parallel_loop3A_121 : i32
        %parallel_loop3A_123 = arith.constant 2 : i32
        %parallel_loop3A_124 = arith.index_cast %parallel_loop3A_123 : i32 to index
        %parallel_loop3A_125 = arith.index_cast %parallel_loop3A_122 : i32 to index
        %parallel_loop3A_126 = tpu.vector_load %arg8[%parallel_loop3A_124, %parallel_loop3A_125] {strides = array<i32>} : memref<8x4096xf32, #tpu.memory_space<vmem>>, vector<16xf32>,
        tpu.vector_store %arg8[%parallel_loop3A_124, %parallel_loop3A_125], %parallel_loop3A_120 {strides = array<i32>} : memref<8x4096xf32, #tpu.memory_space<vmem>>, vector<16xf32>,
        %parallel_loop3A_127 = arith.constant 384 : i32
        %parallel_loop3A_128 = vector.broadcast %parallel_loop3A_127 : i32 to vector<16xi32>
        %parallel_loop3A_129 = arith.addi %parallel_loop3A_96, %parallel_loop3A_128 : vector<16xi32>
        %parallel_loop3A_130 = tpu.vector_load_idx %arg6[%parallel_loop3A_129] : memref<1024xf32, #tpu.memory_space<vmem>>[vector<16xi32>], vector<16xf32>,
        %parallel_loop3A_131 = arith.constant 16 : i32
        %parallel_loop3A_132 = arith.muli %parallel_loop3A_92, %parallel_loop3A_131 : i32
        %parallel_loop3A_133 = arith.constant 3 : i32
        %parallel_loop3A_134 = arith.index_cast %parallel_loop3A_133 : i32 to index
        %parallel_loop3A_135 = arith.index_cast %parallel_loop3A_132 : i32 to index
        %parallel_loop3A_136 = tpu.vector_load %arg8[%parallel_loop3A_134, %parallel_loop3A_135] {strides = array<i32>} : memref<8x4096xf32, #tpu.memory_space<vmem>>, vector<16xf32>,
        tpu.vector_store %arg8[%parallel_loop3A_134, %parallel_loop3A_135], %parallel_loop3A_130 {strides = array<i32>} : memref<8x4096xf32, #tpu.memory_space<vmem>>, vector<16xf32>,
        %parallel_loop3A_137 = arith.constant 512 : i32
        %parallel_loop3A_138 = vector.broadcast %parallel_loop3A_137 : i32 to vector<16xi32>
        %parallel_loop3A_139 = arith.addi %parallel_loop3A_96, %parallel_loop3A_138 : vector<16xi32>
        %parallel_loop3A_140 = tpu.vector_load_idx %arg6[%parallel_loop3A_139] : memref<1024xf32, #tpu.memory_space<vmem>>[vector<16xi32>], vector<16xf32>,
        %parallel_loop3A_141 = arith.constant 16 : i32
        %parallel_loop3A_142 = arith.muli %parallel_loop3A_92, %parallel_loop3A_141 : i32
        %parallel_loop3A_143 = arith.constant 4 : i32
        %parallel_loop3A_144 = arith.index_cast %parallel_loop3A_143 : i32 to index
        %parallel_loop3A_145 = arith.index_cast %parallel_loop3A_142 : i32 to index
        %parallel_loop3A_146 = tpu.vector_load %arg8[%parallel_loop3A_144, %parallel_loop3A_145] {strides = array<i32>} : memref<8x4096xf32, #tpu.memory_space<vmem>>, vector<16xf32>,
        tpu.vector_store %arg8[%parallel_loop3A_144, %parallel_loop3A_145], %parallel_loop3A_140 {strides = array<i32>} : memref<8x4096xf32, #tpu.memory_space<vmem>>, vector<16xf32>,
        %parallel_loop3A_147 = arith.constant 640 : i32
        %parallel_loop3A_148 = vector.broadcast %parallel_loop3A_147 : i32 to vector<16xi32>
        %parallel_loop3A_149 = arith.addi %parallel_loop3A_96, %parallel_loop3A_148 : vector<16xi32>
        %parallel_loop3A_150 = tpu.vector_load_idx %arg6[%parallel_loop3A_149] : memref<1024xf32, #tpu.memory_space<vmem>>[vector<16xi32>], vector<16xf32>,
        %parallel_loop3A_151 = arith.constant 16 : i32
        %parallel_loop3A_152 = arith.muli %parallel_loop3A_92, %parallel_loop3A_151 : i32
        %parallel_loop3A_153 = arith.constant 5 : i32
        %parallel_loop3A_154 = arith.index_cast %parallel_loop3A_153 : i32 to index
        %parallel_loop3A_155 = arith.index_cast %parallel_loop3A_152 : i32 to index
        %parallel_loop3A_156 = tpu.vector_load %arg8[%parallel_loop3A_154, %parallel_loop3A_155] {strides = array<i32>} : memref<8x4096xf32, #tpu.memory_space<vmem>>, vector<16xf32>,
        tpu.vector_store %arg8[%parallel_loop3A_154, %parallel_loop3A_155], %parallel_loop3A_150 {strides = array<i32>} : memref<8x4096xf32, #tpu.memory_space<vmem>>, vector<16xf32>,
        %parallel_loop3A_157 = arith.constant 768 : i32
        %parallel_loop3A_158 = vector.broadcast %parallel_loop3A_157 : i32 to vector<16xi32>
        %parallel_loop3A_159 = arith.addi %parallel_loop3A_96, %parallel_loop3A_158 : vector<16xi32>
        %parallel_loop3A_160 = tpu.vector_load_idx %arg6[%parallel_loop3A_159] : memref<1024xf32, #tpu.memory_space<vmem>>[vector<16xi32>], vector<16xf32>,
        %parallel_loop3A_161 = arith.constant 16 : i32
        %parallel_loop3A_162 = arith.muli %parallel_loop3A_92, %parallel_loop3A_161 : i32
        %parallel_loop3A_163 = arith.constant 6 : i32
        %parallel_loop3A_164 = arith.index_cast %parallel_loop3A_163 : i32 to index
        %parallel_loop3A_165 = arith.index_cast %parallel_loop3A_162 : i32 to index
        %parallel_loop3A_166 = tpu.vector_load %arg8[%parallel_loop3A_164, %parallel_loop3A_165] {strides = array<i32>} : memref<8x4096xf32, #tpu.memory_space<vmem>>, vector<16xf32>,
        tpu.vector_store %arg8[%parallel_loop3A_164, %parallel_loop3A_165], %parallel_loop3A_160 {strides = array<i32>} : memref<8x4096xf32, #tpu.memory_space<vmem>>, vector<16xf32>,
        %parallel_loop3A_167 = arith.constant 896 : i32
        %parallel_loop3A_168 = vector.broadcast %parallel_loop3A_167 : i32 to vector<16xi32>
        %parallel_loop3A_169 = arith.addi %parallel_loop3A_96, %parallel_loop3A_168 : vector<16xi32>
        %parallel_loop3A_170 = tpu.vector_load_idx %arg6[%parallel_loop3A_169] : memref<1024xf32, #tpu.memory_space<vmem>>[vector<16xi32>], vector<16xf32>,
        %parallel_loop3A_171 = arith.constant 16 : i32
        %parallel_loop3A_172 = arith.muli %parallel_loop3A_92, %parallel_loop3A_171 : i32
        %parallel_loop3A_173 = arith.constant 7 : i32
        %parallel_loop3A_174 = arith.index_cast %parallel_loop3A_173 : i32 to index
        %parallel_loop3A_175 = arith.index_cast %parallel_loop3A_172 : i32 to index
        %parallel_loop3A_176 = tpu.vector_load %arg8[%parallel_loop3A_174, %parallel_loop3A_175] {strides = array<i32>} : memref<8x4096xf32, #tpu.memory_space<vmem>>, vector<16xf32>,
        tpu.vector_store %arg8[%parallel_loop3A_174, %parallel_loop3A_175], %parallel_loop3A_170 {strides = array<i32>} : memref<8x4096xf32, #tpu.memory_space<vmem>>, vector<16xf32>,
      } {sc.loop_unroll_factor = 2 : i64, sc.parallel_access}
      %add3A_46 = arith.constant 2 : i32
      %add3A_47 = arith.addi %add3A_34, %add3A_46 : i32
      %lt3A = arith.constant 64 : i32
      %lt3A_48 = arith.cmpi slt, %add3A_47, %lt3A : i32
      %convert_element_type3A_49 = arith.extui %lt3A_48 : i1 to i32
      %cond3A_50 = arith.constant 0 : i32
      %cond3A_51 = arith.cmpi ne, %convert_element_type3A_49, %cond3A_50 : i32
      scf.if %cond3A_51 {
        %add3A_92 = arith.constant 2 : i32
        %add3A_93 = arith.addi %add3A_34, %add3A_92 : i32
        %mul3A_94 = arith.constant 8 : i32
        %mul3A_95 = arith.muli %add3A_93, %mul3A_94 : i32
        %add3A_96 = arith.addi %mul3A_2, %mul3A_95 : i32
        %mul3A_97 = arith.constant 128 : i32
        %mul3A_98 = arith.muli %add3A_96, %mul3A_97 : i32
        %dma_start3A_99 = tpu.memref_slice %arg2[%mul3A_98] : memref<2097152xf32, #tpu.memory_space<hbm>> -> memref<1024xf32, #tpu.memory_space<hbm>>
        %dma_start3A_100 = tpu.memref_slice %arg2[%mul3A_98] : memref<2097152xf32, #tpu.memory_space<hbm>> -> memref<1024xf32, #tpu.memory_space<hbm>>
        tpu.enqueue_dma source(%dma_start3A_100 : memref<1024xf32, #tpu.memory_space<hbm>>) target(%arg6 : memref<1024xf32, #tpu.memory_space<vmem>>) target_semaphore(%arg10 : memref<!tpu.dma_semaphore, #tpu.memory_space<semaphore_mem>>)
      } else {
      }
      %mul3A_52 = arith.constant 8 : i32
      %mul3A_53 = arith.muli %add3A_34, %mul3A_52 : i32
      %add3A_54 = arith.addi %mul3A_2, %mul3A_53 : i32
      %dma_start3A_55 = arith.constant 0 : i32
      %dma_start3A_56 = tpu.memref_slice %arg4[%add3A_54, %dma_start3A_55] : memref<16384x4096xf32, #tpu.memory_space<hbm>> -> memref<8x4096xf32, #tpu.memory_space<hbm>>
      %dma_start3A_57 = arith.constant 0 : i32
      %dma_start3A_58 = tpu.memref_slice %arg4[%add3A_54, %dma_start3A_57] : memref<16384x4096xf32, #tpu.memory_space<hbm>> -> memref<8x4096xf32, #tpu.memory_space<hbm>>
      tpu.enqueue_dma source(%arg8 : memref<8x4096xf32, #tpu.memory_space<vmem>>) target(%dma_start3A_58 : memref<8x4096xf32, #tpu.memory_space<hbm>>) target_semaphore(%arg12 : memref<!tpu.dma_semaphore, #tpu.memory_space<semaphore_mem>>)
      %mul3A_59 = arith.constant 2 : i32
      %mul3A_60 = arith.muli %mul3A_59, %scan3A_30 : i32
      %add3A_61 = arith.constant 1 : i32
      %add3A_62 = arith.addi %mul3A_60, %add3A_61 : i32
      %ge3A_63 = arith.constant 2 : i32
      %ge3A_64 = arith.cmpi sge, %add3A_62, %ge3A_63 : i32
      %convert_element_type3A_65 = arith.extui %ge3A_64 : i1 to i32
      %cond3A_66 = arith.constant 0 : i32
      %cond3A_67 = arith.cmpi ne, %convert_element_type3A_65, %cond3A_66 : i32
      scf.if %cond3A_67 {
        %sub3A = arith.constant 2 : i32
        %sub3A_92 = arith.subi %add3A_62, %sub3A : i32
        %mul3A_93 = arith.constant 8 : i32
        %mul3A_94 = arith.muli %sub3A_92, %mul3A_93 : i32
        %add3A_95 = arith.addi %mul3A_2, %mul3A_94 : i32
        %dma_wait3A_96 = arith.constant 0 : i32
        %dma_wait3A_97 = tpu.memref_slice %arg4[%add3A_95, %dma_wait3A_96] : memref<16384x4096xf32, #tpu.memory_space<hbm>> -> memref<8x4096xf32, #tpu.memory_space<hbm>>
        %dma_wait3A_98 = arith.constant 0 : i32
        %dma_wait3A_99 = tpu.memref_slice %arg4[%add3A_95, %dma_wait3A_98] : memref<16384x4096xf32, #tpu.memory_space<hbm>> -> memref<8x4096xf32, #tpu.memory_space<hbm>>
        tpu.wait_dma2 semaphore(%arg13 : memref<!tpu.dma_semaphore, #tpu.memory_space<semaphore_mem>>) src(%arg9 : memref<8x4096xf32, #tpu.memory_space<vmem>>) dst(%dma_wait3A_99 : memref<8x4096xf32, #tpu.memory_space<hbm>>)
      } else {
      }
      %mul3A_68 = arith.constant 8 : i32
      %mul3A_69 = arith.muli %add3A_62, %mul3A_68 : i32
      %add3A_70 = arith.addi %mul3A_2, %mul3A_69 : i32
      %mul3A_71 = arith.constant 128 : i32
      %mul3A_72 = arith.muli %add3A_70, %mul3A_71 : i32
      %dma_wait3A_73 = tpu.memref_slice %arg2[%mul3A_72] : memref<2097152xf32, #tpu.memory_space<hbm>> -> memref<1024xf32, #tpu.memory_space<hbm>>
      %dma_wait3A_74 = tpu.memref_slice %arg2[%mul3A_72] : memref<2097152xf32, #tpu.memory_space<hbm>> -> memref<1024xf32, #tpu.memory_space<hbm>>
      tpu.wait_dma2 semaphore(%arg11 : memref<!tpu.dma_semaphore, #tpu.memory_space<semaphore_mem>>) src(%dma_wait3A_74 : memref<1024xf32, #tpu.memory_space<hbm>>) dst(%arg7 : memref<1024xf32, #tpu.memory_space<vmem>>)
      %parallel_loop3A_75 = arith.constant 0 : i32
      %parallel_loop3A_76 = arith.constant 128 : i32
      %parallel_loop3A_77 = arith.constant 1 : i32
      scf.for %parallel_loop3A_92 = %parallel_loop3A_75 to %parallel_loop3A_76 step %parallel_loop3A_77  : i32 {
        %parallel_loop3A_93 = arith.constant 16 : i32
        %parallel_loop3A_94 = arith.muli %parallel_loop3A_92, %parallel_loop3A_93 : i32
        %parallel_loop3A_95 = arith.index_cast %parallel_loop3A_94 : i32 to index
        %parallel_loop3A_96 = tpu.vector_load %arg5[%parallel_loop3A_95] {strides = array<i32>} : memref<4096xi32, #tpu.memory_space<vmem>>, vector<16xi32>,
        %parallel_loop3A_97 = arith.constant 0 : i32
        %parallel_loop3A_98 = vector.broadcast %parallel_loop3A_97 : i32 to vector<16xi32>
        %parallel_loop3A_99 = arith.addi %parallel_loop3A_96, %parallel_loop3A_98 : vector<16xi32>
        %parallel_loop3A_100 = tpu.vector_load_idx %arg7[%parallel_loop3A_99] : memref<1024xf32, #tpu.memory_space<vmem>>[vector<16xi32>], vector<16xf32>,
        %parallel_loop3A_101 = arith.constant 16 : i32
        %parallel_loop3A_102 = arith.muli %parallel_loop3A_92, %parallel_loop3A_101 : i32
        %parallel_loop3A_103 = arith.constant 0 : i32
        %parallel_loop3A_104 = arith.index_cast %parallel_loop3A_103 : i32 to index
        %parallel_loop3A_105 = arith.index_cast %parallel_loop3A_102 : i32 to index
        %parallel_loop3A_106 = tpu.vector_load %arg9[%parallel_loop3A_104, %parallel_loop3A_105] {strides = array<i32>} : memref<8x4096xf32, #tpu.memory_space<vmem>>, vector<16xf32>,
        tpu.vector_store %arg9[%parallel_loop3A_104, %parallel_loop3A_105], %parallel_loop3A_100 {strides = array<i32>} : memref<8x4096xf32, #tpu.memory_space<vmem>>, vector<16xf32>,
        %parallel_loop3A_107 = arith.constant 128 : i32
        %parallel_loop3A_108 = vector.broadcast %parallel_loop3A_107 : i32 to vector<16xi32>
        %parallel_loop3A_109 = arith.addi %parallel_loop3A_96, %parallel_loop3A_108 : vector<16xi32>
        %parallel_loop3A_110 = tpu.vector_load_idx %arg7[%parallel_loop3A_109] : memref<1024xf32, #tpu.memory_space<vmem>>[vector<16xi32>], vector<16xf32>,
        %parallel_loop3A_111 = arith.constant 16 : i32
        %parallel_loop3A_112 = arith.muli %parallel_loop3A_92, %parallel_loop3A_111 : i32
        %parallel_loop3A_113 = arith.constant 1 : i32
        %parallel_loop3A_114 = arith.index_cast %parallel_loop3A_113 : i32 to index
        %parallel_loop3A_115 = arith.index_cast %parallel_loop3A_112 : i32 to index
        %parallel_loop3A_116 = tpu.vector_load %arg9[%parallel_loop3A_114, %parallel_loop3A_115] {strides = array<i32>} : memref<8x4096xf32, #tpu.memory_space<vmem>>, vector<16xf32>,
        tpu.vector_store %arg9[%parallel_loop3A_114, %parallel_loop3A_115], %parallel_loop3A_110 {strides = array<i32>} : memref<8x4096xf32, #tpu.memory_space<vmem>>, vector<16xf32>,
        %parallel_loop3A_117 = arith.constant 256 : i32
        %parallel_loop3A_118 = vector.broadcast %parallel_loop3A_117 : i32 to vector<16xi32>
        %parallel_loop3A_119 = arith.addi %parallel_loop3A_96, %parallel_loop3A_118 : vector<16xi32>
        %parallel_loop3A_120 = tpu.vector_load_idx %arg7[%parallel_loop3A_119] : memref<1024xf32, #tpu.memory_space<vmem>>[vector<16xi32>], vector<16xf32>,
        %parallel_loop3A_121 = arith.constant 16 : i32
        %parallel_loop3A_122 = arith.muli %parallel_loop3A_92, %parallel_loop3A_121 : i32
        %parallel_loop3A_123 = arith.constant 2 : i32
        %parallel_loop3A_124 = arith.index_cast %parallel_loop3A_123 : i32 to index
        %parallel_loop3A_125 = arith.index_cast %parallel_loop3A_122 : i32 to index
        %parallel_loop3A_126 = tpu.vector_load %arg9[%parallel_loop3A_124, %parallel_loop3A_125] {strides = array<i32>} : memref<8x4096xf32, #tpu.memory_space<vmem>>, vector<16xf32>,
        tpu.vector_store %arg9[%parallel_loop3A_124, %parallel_loop3A_125], %parallel_loop3A_120 {strides = array<i32>} : memref<8x4096xf32, #tpu.memory_space<vmem>>, vector<16xf32>,
        %parallel_loop3A_127 = arith.constant 384 : i32
        %parallel_loop3A_128 = vector.broadcast %parallel_loop3A_127 : i32 to vector<16xi32>
        %parallel_loop3A_129 = arith.addi %parallel_loop3A_96, %parallel_loop3A_128 : vector<16xi32>
        %parallel_loop3A_130 = tpu.vector_load_idx %arg7[%parallel_loop3A_129] : memref<1024xf32, #tpu.memory_space<vmem>>[vector<16xi32>], vector<16xf32>,
        %parallel_loop3A_131 = arith.constant 16 : i32
        %parallel_loop3A_132 = arith.muli %parallel_loop3A_92, %parallel_loop3A_131 : i32
        %parallel_loop3A_133 = arith.constant 3 : i32
        %parallel_loop3A_134 = arith.index_cast %parallel_loop3A_133 : i32 to index
        %parallel_loop3A_135 = arith.index_cast %parallel_loop3A_132 : i32 to index
        %parallel_loop3A_136 = tpu.vector_load %arg9[%parallel_loop3A_134, %parallel_loop3A_135] {strides = array<i32>} : memref<8x4096xf32, #tpu.memory_space<vmem>>, vector<16xf32>,
        tpu.vector_store %arg9[%parallel_loop3A_134, %parallel_loop3A_135], %parallel_loop3A_130 {strides = array<i32>} : memref<8x4096xf32, #tpu.memory_space<vmem>>, vector<16xf32>,
        %parallel_loop3A_137 = arith.constant 512 : i32
        %parallel_loop3A_138 = vector.broadcast %parallel_loop3A_137 : i32 to vector<16xi32>
        %parallel_loop3A_139 = arith.addi %parallel_loop3A_96, %parallel_loop3A_138 : vector<16xi32>
        %parallel_loop3A_140 = tpu.vector_load_idx %arg7[%parallel_loop3A_139] : memref<1024xf32, #tpu.memory_space<vmem>>[vector<16xi32>], vector<16xf32>,
        %parallel_loop3A_141 = arith.constant 16 : i32
        %parallel_loop3A_142 = arith.muli %parallel_loop3A_92, %parallel_loop3A_141 : i32
        %parallel_loop3A_143 = arith.constant 4 : i32
        %parallel_loop3A_144 = arith.index_cast %parallel_loop3A_143 : i32 to index
        %parallel_loop3A_145 = arith.index_cast %parallel_loop3A_142 : i32 to index
        %parallel_loop3A_146 = tpu.vector_load %arg9[%parallel_loop3A_144, %parallel_loop3A_145] {strides = array<i32>} : memref<8x4096xf32, #tpu.memory_space<vmem>>, vector<16xf32>,
        tpu.vector_store %arg9[%parallel_loop3A_144, %parallel_loop3A_145], %parallel_loop3A_140 {strides = array<i32>} : memref<8x4096xf32, #tpu.memory_space<vmem>>, vector<16xf32>,
        %parallel_loop3A_147 = arith.constant 640 : i32
        %parallel_loop3A_148 = vector.broadcast %parallel_loop3A_147 : i32 to vector<16xi32>
        %parallel_loop3A_149 = arith.addi %parallel_loop3A_96, %parallel_loop3A_148 : vector<16xi32>
        %parallel_loop3A_150 = tpu.vector_load_idx %arg7[%parallel_loop3A_149] : memref<1024xf32, #tpu.memory_space<vmem>>[vector<16xi32>], vector<16xf32>,
        %parallel_loop3A_151 = arith.constant 16 : i32
        %parallel_loop3A_152 = arith.muli %parallel_loop3A_92, %parallel_loop3A_151 : i32
        %parallel_loop3A_153 = arith.constant 5 : i32
        %parallel_loop3A_154 = arith.index_cast %parallel_loop3A_153 : i32 to index
        %parallel_loop3A_155 = arith.index_cast %parallel_loop3A_152 : i32 to index
        %parallel_loop3A_156 = tpu.vector_load %arg9[%parallel_loop3A_154, %parallel_loop3A_155] {strides = array<i32>} : memref<8x4096xf32, #tpu.memory_space<vmem>>, vector<16xf32>,
        tpu.vector_store %arg9[%parallel_loop3A_154, %parallel_loop3A_155], %parallel_loop3A_150 {strides = array<i32>} : memref<8x4096xf32, #tpu.memory_space<vmem>>, vector<16xf32>,
        %parallel_loop3A_157 = arith.constant 768 : i32
        %parallel_loop3A_158 = vector.broadcast %parallel_loop3A_157 : i32 to vector<16xi32>
        %parallel_loop3A_159 = arith.addi %parallel_loop3A_96, %parallel_loop3A_158 : vector<16xi32>
        %parallel_loop3A_160 = tpu.vector_load_idx %arg7[%parallel_loop3A_159] : memref<1024xf32, #tpu.memory_space<vmem>>[vector<16xi32>], vector<16xf32>,
        %parallel_loop3A_161 = arith.constant 16 : i32
        %parallel_loop3A_162 = arith.muli %parallel_loop3A_92, %parallel_loop3A_161 : i32
        %parallel_loop3A_163 = arith.constant 6 : i32
        %parallel_loop3A_164 = arith.index_cast %parallel_loop3A_163 : i32 to index
        %parallel_loop3A_165 = arith.index_cast %parallel_loop3A_162 : i32 to index
        %parallel_loop3A_166 = tpu.vector_load %arg9[%parallel_loop3A_164, %parallel_loop3A_165] {strides = array<i32>} : memref<8x4096xf32, #tpu.memory_space<vmem>>, vector<16xf32>,
        tpu.vector_store %arg9[%parallel_loop3A_164, %parallel_loop3A_165], %parallel_loop3A_160 {strides = array<i32>} : memref<8x4096xf32, #tpu.memory_space<vmem>>, vector<16xf32>,
        %parallel_loop3A_167 = arith.constant 896 : i32
        %parallel_loop3A_168 = vector.broadcast %parallel_loop3A_167 : i32 to vector<16xi32>
        %parallel_loop3A_169 = arith.addi %parallel_loop3A_96, %parallel_loop3A_168 : vector<16xi32>
        %parallel_loop3A_170 = tpu.vector_load_idx %arg7[%parallel_loop3A_169] : memref<1024xf32, #tpu.memory_space<vmem>>[vector<16xi32>], vector<16xf32>,
        %parallel_loop3A_171 = arith.constant 16 : i32
        %parallel_loop3A_172 = arith.muli %parallel_loop3A_92, %parallel_loop3A_171 : i32
        %parallel_loop3A_173 = arith.constant 7 : i32
        %parallel_loop3A_174 = arith.index_cast %parallel_loop3A_173 : i32 to index
        %parallel_loop3A_175 = arith.index_cast %parallel_loop3A_172 : i32 to index
        %parallel_loop3A_176 = tpu.vector_load %arg9[%parallel_loop3A_174, %parallel_loop3A_175] {strides = array<i32>} : memref<8x4096xf32, #tpu.memory_space<vmem>>, vector<16xf32>,
        tpu.vector_store %arg9[%parallel_loop3A_174, %parallel_loop3A_175], %parallel_loop3A_170 {strides = array<i32>} : memref<8x4096xf32, #tpu.memory_space<vmem>>, vector<16xf32>,
      } {sc.loop_unroll_factor = 2 : i64, sc.parallel_access}
      %add3A_78 = arith.constant 2 : i32
      %add3A_79 = arith.addi %add3A_62, %add3A_78 : i32
      %lt3A_80 = arith.constant 64 : i32
      %lt3A_81 = arith.cmpi slt, %add3A_79, %lt3A_80 : i32
      %convert_element_type3A_82 = arith.extui %lt3A_81 : i1 to i32
      %cond3A_83 = arith.constant 0 : i32
      %cond3A_84 = arith.cmpi ne, %convert_element_type3A_82, %cond3A_83 : i32
      scf.if %cond3A_84 {
        %add3A_92 = arith.constant 2 : i32
        %add3A_93 = arith.addi %add3A_62, %add3A_92 : i32
        %mul3A_94 = arith.constant 8 : i32
        %mul3A_95 = arith.muli %add3A_93, %mul3A_94 : i32
        %add3A_96 = arith.addi %mul3A_2, %mul3A_95 : i32
        %mul3A_97 = arith.constant 128 : i32
        %mul3A_98 = arith.muli %add3A_96, %mul3A_97 : i32
        %dma_start3A_99 = tpu.memref_slice %arg2[%mul3A_98] : memref<2097152xf32, #tpu.memory_space<hbm>> -> memref<1024xf32, #tpu.memory_space<hbm>>
        %dma_start3A_100 = tpu.memref_slice %arg2[%mul3A_98] : memref<2097152xf32, #tpu.memory_space<hbm>> -> memref<1024xf32, #tpu.memory_space<hbm>>
        tpu.enqueue_dma source(%dma_start3A_100 : memref<1024xf32, #tpu.memory_space<hbm>>) target(%arg7 : memref<1024xf32, #tpu.memory_space<vmem>>) target_semaphore(%arg11 : memref<!tpu.dma_semaphore, #tpu.memory_space<semaphore_mem>>)
      } else {
      }
      %mul3A_85 = arith.constant 8 : i32
      %mul3A_86 = arith.muli %add3A_62, %mul3A_85 : i32
      %add3A_87 = arith.addi %mul3A_2, %mul3A_86 : i32
      %dma_start3A_88 = arith.constant 0 : i32
      %dma_start3A_89 = tpu.memref_slice %arg4[%add3A_87, %dma_start3A_88] : memref<16384x4096xf32, #tpu.memory_space<hbm>> -> memref<8x4096xf32, #tpu.memory_space<hbm>>
      %dma_start3A_90 = arith.constant 0 : i32
      %dma_start3A_91 = tpu.memref_slice %arg4[%add3A_87, %dma_start3A_90] : memref<16384x4096xf32, #tpu.memory_space<hbm>> -> memref<8x4096xf32, #tpu.memory_space<hbm>>
      tpu.enqueue_dma source(%arg9 : memref<8x4096xf32, #tpu.memory_space<vmem>>) target(%dma_start3A_91 : memref<8x4096xf32, #tpu.memory_space<hbm>>) target_semaphore(%arg13 : memref<!tpu.dma_semaphore, #tpu.memory_space<semaphore_mem>>)
    }
    %scan3A_18 = arith.constant 32 : i32
    %add3A_19 = arith.constant 496 : i32
    %add3A_20 = arith.addi %mul3A_2, %add3A_19 : i32
    %dma_wait3A = arith.constant 0 : i32
    %dma_wait3A_21 = tpu.memref_slice %arg4[%add3A_20, %dma_wait3A] : memref<16384x4096xf32, #tpu.memory_space<hbm>> -> memref<8x4096xf32, #tpu.memory_space<hbm>>
    %dma_wait3A_22 = arith.constant 0 : i32
    %dma_wait3A_23 = tpu.memref_slice %arg4[%add3A_20, %dma_wait3A_22] : memref<16384x4096xf32, #tpu.memory_space<hbm>> -> memref<8x4096xf32, #tpu.memory_space<hbm>>
    tpu.wait_dma2 semaphore(%arg12 : memref<!tpu.dma_semaphore, #tpu.memory_space<semaphore_mem>>) src(%arg8 : memref<8x4096xf32, #tpu.memory_space<vmem>>) dst(%dma_wait3A_23 : memref<8x4096xf32, #tpu.memory_space<hbm>>)
    %add3A_24 = arith.constant 504 : i32
    %add3A_25 = arith.addi %mul3A_2, %add3A_24 : i32
    %dma_wait3A_26 = arith.constant 0 : i32
    %dma_wait3A_27 = tpu.memref_slice %arg4[%add3A_25, %dma_wait3A_26] : memref<16384x4096xf32, #tpu.memory_space<hbm>> -> memref<8x4096xf32, #tpu.memory_space<hbm>>
    %dma_wait3A_28 = arith.constant 0 : i32
    %dma_wait3A_29 = tpu.memref_slice %arg4[%add3A_25, %dma_wait3A_28] : memref<16384x4096xf32, #tpu.memory_space<hbm>> -> memref<8x4096xf32, #tpu.memory_space<hbm>>
    tpu.wait_dma2 semaphore(%arg13 : memref<!tpu.dma_semaphore, #tpu.memory_space<semaphore_mem>>) src(%arg9 : memref<8x4096xf32, #tpu.memory_space<vmem>>) dst(%dma_wait3A_29 : memref<8x4096xf32, #tpu.memory_space<hbm>>)
    return
  }
}

</mosaic_0001>

<sc_bundles>
// kernel: sc_coeff_expand.3.cloned.1.call-start
scs
__scs_entry_jumppad:
0x0: {  	(pc) =	sbr.rel $0x88, $3  }
0x1: {  	(tag) =	ssettag $0x0;
	lr =	simm.s32 $0x1  }
0x2: {  	[smem:$0x3F9F] =	sst lr;
	_ =	strace $0xD0000000  }
0x3: {  	_ = 	snop  }
0x4: {  	_ = 	snop  }
0x5: {  	_ = 	snop  }
0x6: {  	_ = 	snop  }
0x7: {  	_ = 	snop  }
__scs_overlays_trampoline_lowered:
0x8: {  	[smem:$0x3FAE] =	sst s0  }
0x9: {  	[smem:$0x3FAF] =	sst s1  }
0xa: {  	[smem:$0x3FB0] =	sst s2  }
0xb: {  	[smem:$0x3FB1] =	sst s3  }
0xc: {  	[smem:$0x3FB2] =	sst s4  }
0xd: {  	[smem:$0x3FB3] =	sst s5  }
0xe: {  	[smem:$0x3FB4] =	sst s6  }
0xf: {  	[smem:$0x3FB5] =	sst s7  }
0x10: {  	[smem:$0x3FB6] =	sst s8  }
0x11: {  	[smem:$0x3FB7] =	sst s9;
	s0 =	simm.s32 @!p0 $0x0  }
0x12: {  	s1 =	sld [smem:$0x3F9D];
	s0 =	simm.s32 @p0 $0x1  }
0x13: {  	[smem:$0x3FB8] =	sst s0;
	s0 =	simm.s32 @!p1 $0x0  }
0x14: {  	s2 =	sld [smem:$0x3F9C];
	s0 =	simm.s32 @p1 $0x1  }
0x15: {  	[smem:$0x3FB9] =	sst s0;
	s0 =	simm.s32 @!p2 $0x0  }
0x16: {  	s3 =	sld [smem:$0x3FDB];
	s0 =	simm.s32 @p2 $0x1  }
0x17: {  	s4 =	simm.s32 $0x1BF5;
	[smem:$0x3FBB] =	sst s0  }
0x18: {  	s0 =	sld [smem:$0x3F9E];
	_ =	swait.ge [sflag:s4], $0x0  }
0x19: {  	s7 =	sld [smem:$0x3F9F]  }
0x1a: {  	s8 =	sadd.s32 $0xFFFFE003, lr  }
0x1b: {  	s9 =	sadd.s32 $0xFFFFFEF7, lr;
	s5 =	simm.s32 $0xFFFFFFFF;
	p2 =	slt.u32 s8, $0xFFFFF086  }
0x1c: {  	p1 =	slt.u32 s9, $0xF7A;
	s5 =	simm.s32 @!p2 $0x0  }
0x1d: {  	s5 =	simm.s32 @p1 $0x1;
	p0 =	seq.s32 s7, s2  }
0x1e: {  	s7 =	smul.u32 @!p0 $0xF7A, s2;
	p2 =	seq.s32 @!p0 s5, $0x0  }
0x1f: {  	s9 =	smul.u32 $0xF7A, s1;
	s8 =	simm.s32 @!p0 $0x1BF5;
	p2 =	por !p2, p0  }
0x20: {  	[sflag:s8] =	ssyncset.s32 @!p0 $0xFFFFF086;
	s6 =	sadd.s32 @!p0 s3, s7;
	s7 =	simm.s32 @!p0 $0x108  }
0x21: {  	s3 =	sadd.s32 s3, s9;
	s6 =	sadd.s32 @!p0 $0x88, s6;
	s7 =	simm.s32 @p2 $0x1082  }
0x22: {  	[simem:s7], [sflag:s8] =	dma.local @!p0 [hbm:s6], $0xF7A  }
0x23: {  	s9 =	sor.u32 $0xD0000000, s2;
	s6 =	simm.s32 $0x108;
	_ =	swait.ge @!p0 [sflag:s8], $0x0  }
0x24: {  	s3 =	sadd.s32 $0x88, s3;
	s6 =	simm.s32 @!p1 $0x1082;
	[sflag:s4] =	ssyncset.s32 $0xFFFFF086  }
0x25: {  	[simem:s6], [sflag:s4] =	dma.local [hbm:s3], $0xF7A  }
0x26: {  	[smem:$0x3F9F] =	sst s1;
	(tag) =	ssettag s2;
	_ =	strace s9  }
0x27: {  	s1 =	sld [smem:$0x3FAF]  }
0x28: {  	s2 =	sld [smem:$0x3FB0]  }
0x29: {  	s4 =	sld [smem:$0x3FB2]  }
0x2a: {  	p0 =	seq.s32 s5, $0x0;
	s5 =	sld [smem:$0x3FB3]  }
0x2b: {  	s6 =	sld [smem:$0x3FB4]  }
0x2c: {  	s7 =	sld [smem:$0x3FB5]  }
0x2d: {  	s3 =	simm.s32 $0x108;
	s8 =	sld [smem:$0x3FB6]  }
0x2e: {  	s3 =	simm.s32 @!p0 $0x1082;
	s9 =	sld [smem:$0x3FB7]  }
0x2f: {  	lr =	sadd.s32 s0, s3;
	s0 =	sld [smem:$0x3FAE]  }
0x30: {  	s3 =	sld [smem:$0x3FB1]  }
0x31: {  	[smem:$0x3FBA] =	sst s10  }
0x32: {  	s10 =	sld [smem:$0x3FB8];
	_ =	sdelay $0x3  }
0x33: {  	p0 =	seq.s32 s10, $0x1;
	s10 =	sld [smem:$0x3FBA];
	_ =	sdelay $0x3  }
0x34: {  	[smem:$0x3FBA] =	sst s10  }
0x35: {  	s10 =	sld [smem:$0x3FB9];
	_ =	sdelay $0x3  }
0x36: {  	p1 =	seq.s32 s10, $0x1;
	s10 =	sld [smem:$0x3FBA];
	_ =	sdelay $0x3  }
0x37: {  	[smem:$0x3FBA] =	sst s10  }
0x38: {  	s10 =	sld [smem:$0x3FBB]  }
0x39: {  	_ = 	snop;
	(pc) =	sbr.ind lr, $3  }
0x3a: {  	_ = 	snop  }
0x3b: {  	_ = 	snop  }
0x3c: {  	p2 =	seq.s32 s10, $0x1;
	s10 =	sld [smem:$0x3FBA]  }
0x3d: {  	_ =	shalt  }
0x3e: {  	_ =	shalt  }
0x3f: {  	_ =	shalt  }
0x40: {  	_ =	shalt  }
0x41: {  	_ =	shalt  }
0x42: {  	_ =	shalt  }
0x43: {  	_ =	shalt  }
0x44: {  	_ =	shalt  }
0x45: {  	_ =	shalt  }
0x46: {  	_ =	shalt  }
0x47: {  	_ =	shalt  }
0x48: {  	_ =	shalt  }
0x49: {  	_ =	shalt  }
0x4a: {  	_ =	shalt  }
0x4b: {  	_ =	shalt  }
0x4c: {  	_ =	shalt  }
0x4d: {  	_ =	shalt  }
0x4e: {  	_ =	shalt  }
0x4f: {  	_ =	shalt  }
0x50: {  	_ =	shalt  }
0x51: {  	_ =	shalt  }
0x52: {  	_ =	shalt  }
0x53: {  	_ =	shalt  }
0x54: {  	_ =	shalt  }
0x55: {  	_ =	shalt  }
0x56: {  	_ =	shalt  }
0x57: {  	_ =	shalt  }
0x58: {  	_ =	shalt  }
0x59: {  	_ =	shalt  }
0x5a: {  	_ =	shalt  }
0x5b: {  	_ =	shalt  }
0x5c: {  	_ =	shalt  }
0x5d: {  	_ =	shalt  }
0x5e: {  	_ =	shalt  }
0x5f: {  	_ =	shalt  }
0x60: {  	_ =	shalt  }
0x61: {  	_ =	shalt  }
0x62: {  	_ =	shalt  }
0x63: {  	_ =	shalt  }
0x64: {  	_ =	shalt  }
0x65: {  	_ =	shalt  }
0x66: {  	_ =	shalt  }
0x67: {  	_ =	shalt  }
0x68: {  	_ =	shalt  }
0x69: {  	_ =	shalt  }
0x6a: {  	_ =	shalt  }
0x6b: {  	_ =	shalt  }
0x6c: {  	_ =	shalt  }
0x6d: {  	_ =	shalt  }
0x6e: {  	_ =	shalt  }
0x6f: {  	_ =	shalt  }
0x70: {  	_ =	shalt  }
0x71: {  	_ =	shalt  }
0x72: {  	_ =	shalt  }
0x73: {  	_ =	shalt  }
0x74: {  	_ =	shalt  }
0x75: {  	_ =	shalt  }
0x76: {  	_ =	shalt  }
0x77: {  	_ =	shalt  }
0x78: {  	_ =	shalt  }
0x79: {  	_ =	shalt  }
0x7a: {  	_ =	shalt  }
0x7b: {  	_ =	shalt  }
0x7c: {  	_ =	shalt  }
0x7d: {  	_ =	shalt  }
0x7e: {  	_ =	shalt  }
0x7f: {  	_ =	shalt  }
0x80: {  	_ =	shalt  }
0x81: {  	_ =	shalt  }
0x82: {  	_ =	shalt  }
0x83: {  	_ =	shalt  }
0x84: {  	_ =	shalt  }
0x85: {  	_ =	shalt  }
0x86: {  	_ =	shalt  }
0x87: {  	_ =	shalt  }
.Lfunc_end0:
.L_simem_size_0:
called_computation_lowered:
.L_overlay_start_0:
0x88: {  	s2 =	sld [smem:$0x3FD9]  }
0x89: {  	s3 =	sld [smem:$0x3FFE];
	_ =	sdelay $0x1  }
0x8a: {  	s1 =	srdreg.scid  }
0x8b: {  	s0 =	sand.u32 $0x1, s1  }
0x8c: {  	s18 =	sshll.u32 s0, $0xA;
	s2 =	sadd.s32 s3, s2  }
0x8d: {  	s2 =	sadd.s32 s2, s18  }
0x8e: {  	[smem:$0x3FC6] =	sst s2  }
0x8f: {  	_ = 	snop  }
0x90: {  	s2 =	sld [smem:$0x3FC9]  }
0x91: {  	s19 =	sld [smem:$0x3FC8]  }
0x92: {  	s4 =	sld [smem:$0x3FD0];
	(tm) =	ssettm $0x1  }
0x93: {  	s5 =	sld [smem:$0x3FFB];
	_ =	sdelay $0x3  }
0x94: {  	_ =	strace s5  }
0x95: {  	s5 =	sld [smem:$0x3FFC];
	_ =	sdelay $0x3  }
0x96: {  	_ =	strace s5  }
0x97: {  	s5 =	sld [smem:$0x3FFD];
	_ =	sdelay $0x3  }
0x98: {  	_ =	strace s5  }
0x99: {  	_ =	strace $0x8FFFFFFF  }
0x9a: {  	s20 =	sld [smem:$0x3FDB];
	_ =	sdelay $0x1  }
0x9b: {  	s6 =	simm.s32 $_scs_section_size  }
0x9c: {  	s7 =	simm.s32 $_size__tile_overlayer_lowered;
	s8 =	simm.s32 $_tile_overlayer_lowered  }
0x9d: {  	s23 =	simm.s32 $0x1BFF;
	s22 =	sshll.u32 s8, $0x1;
	s5 =	sadd.s32 s6, s20  }
0x9e: {  	s9 =	simm.s32 $0x0;
	s21 =	sshll.u32 s7, $0x1;
	s7 =	sadd.s32 s22, s5  }
0x9f: {  	[timem:s9], [sflag:s23] =	dma.local [hbm:s7], s21  }
0xa0: {  	_ =	swait.ge [sflag:s23], s21  }
0xa1: {  	s6 =	ssub.s32 $0x0, s21;
	[sflag:s23] =	ssyncset.done $0x0  }
0xa2: {  	[sflag:s23] =	ssyncadd.s32 s6;
	_ =	sdelay $0x1  }
0xa3: {  	s24 =	simm.s32 $0x1B8B  }
0xa4: {  	_ =	swait.ge [sflag:s24], $0x1  }
0xa5: {  	[sflag:s24] =	ssyncset.done $0x0  }
0xa6: {  	s25 =	simm.s32 $0x1B8E;
	[sflag:s24] =	ssyncadd.s32 $0xFFFFFFFF  }
0xa7: {  	s26 =	simm.s32 $execute0_lowered;
	[smem:$0x3FD2] =	sst s25  }
0xa8: {  	s6 =	sshll.u32 s26, $0x1;
	_ =	strace $0x80000046;
	[dreg:$0x1] =	wrdreg $0xFFFFFFFF  }
0xa9: {  	s28 =	simm.s32 $_size_execute0_lowered;
	s5 =	sadd.s32 s5, s6;
	[dreg:$0x0] =	wrdreg $0x0  }
0xaa: {  	s6 =	sshll.u32 s28, $0x1;
	[dreg:$0x2] =	wrdreg s5  }
0xab: {  	[dreg:$0x3] =	wrdreg s6  }
0xac: {  	[dreg:$0x4] =	wrdreg $0xC0  }
0xad: {  	_ =	task [dreg:s9], $0x5FFFF  }
0xae: {  	[dreg:$0x1] =	wrdreg $0xFFFFFFFF  }
0xaf: {  	[dreg:$0x0] =	wrdreg $0x60  }
0xb0: {  	[dreg:$0x2] =	wrdreg s2  }
0xb1: {  	[dreg:$0x3] =	wrdreg s19  }
0xb2: {  	[dreg:$0x4] =	wrdreg s4  }
0xb3: {  	[dreg:$0x5] =	wrdreg $0x9  }
0xb4: {  	_ =	task.clear_ibuf [dreg:s9], $0x6FFFF;
	_ =	strace $0x90000046  }
0xb5: {  	s29 =	simm.s32 $0x9;
	_ =	strace $0x80000048  }
0xb6: {  	_ =	swait.ge [sflag:s29], $0x1  }
0xb7: {  	[sflag:s29] =	ssyncadd.s32 $0xFFFFFFFF  }
0xb8: {  	_ =	strace $0x90000048  }
0xb9: {  	_ =	sfence  }
0xba: {  	s30 =	sld [smem:$0x0];
	_ =	sdelay $0x2  }
0xbb: {  	s31 =	sshll.u32 s1, $0xD;
	s1 =	sshrl.u32 s1, $0x2  }
0xbc: {  	s3 =	sand.u32 $0x4000, s31;
	s1 =	sadd.s32 s1, s30  }
0xbd: {  	s0 =	sor.u32 s3, s0;
	s1 =	sshll.u32 s1, $0x11  }
0xbe: {  	s0 =	sor.u32 s1, s0  }
0xbf: {  	s0 =	sadd.s32 $0x8F2B, s0  }
0xc0: {  	[sflag:s0] =	ssyncadd.remote.s32 $0x1  }
0xc1: {  	_ =	sfence.sel $0xFFFF  }
0xc2: {  	[dreg:$0x0] =	wrdreg $0xFFFFFFFF;
	(pc) =	sbr.abs _section_cstart, $3  }
0xc3: {  	[dreg:$0x1] =	wrdreg $0xFFFFFFFF  }
0xc4: {  	_ =	task.clear_ibuf [dreg:s9], $0x2FFFF;
	_ =	strace $0x9FFFFFFF  }
0xc5: {  	(tm) =	ssettm $0x7FFFFFFF  }
tec
execute0_lowered:
.L_overlay_start_1:
0x0: {  	(tag) =	ssettag $0x1  }
0x1: {  	s0 =	rddreg [dreg:$0x0]  }
0x2: {  	s1 =	rddreg [dreg:$0x2]  }
0x3: {  	s2 =	srdreg.scid;
	s4 =	stileid.u32  }
0x4: {  	s3 =	simm.s32 $0x0;
	s11 =	simm.s32 $0x1000;
	s12 =	simm.s32 $0x1400  }
0x5: {  	s13 =	simm.s32 $0x1;
	s14 =	simm.s32 $0x1800;
	s15 =	simm.s32 $0x2  }
0x6: {  	s16 =	simm.s32 $0x9800;
	s2 =	sand.u32 $0x1, s2;
	s4 =	sshll.u32 s4, $0x1  }
0x7: {  	[smem:$0x7FF] =	sst s3;
	s5 =	ssub.s32 $0x2, s2;
	s2 =	sor.u32 s2, s4  }
0x8: {  	_ =	strace $0x80000047;
	s29 =	sshrl.u32 s5, $0x1;
	s6 =	sshll.u32 s2, $0xD  }
0x9: {  	s2 =	sshll.u32 s2, $0x12;
	s4 =	ssub.s32 s5, s29;
	s0 =	sadd.s32 s0, s6  }
0xa: {  	s7 =	sadd.s32 s1, s2;
	s30 =	sadd.s32 $0x80, s0;
	[dreg:$0x4] =	wrdreg s0  }
0xb: {  	s2 =	simm.s32 $0x0;
	s31 =	smax.u32 s4, $0x1;
	[dreg:$0x5] =	wrdreg s30  }
0xc: {  	s6 =	sadd.s32 $0x100, s0;
	s8 =	sadd.s32 $0x180, s0;
	[dreg:$0x6] =	wrdreg s31  }
.LBB2_1:
0xd: {  	[dreg:$0x7] =	wrdreg s2  }
0xe: {  	s0 =	rddreg [dreg:$0x1];
	s29 =	simm.s32 $0x5  }
0xf: {  	[tilespmem:s3], [sflag:$0x5] =	stream.linear.gather [hbm4b:s0+s3], $0x1000, $0x38;
	[tilespmem:$0x11800] =	vst v63  }
0x10: {  	_ =	swait.ge [sflag:s29], $0x1000  }
0x11: {  	[sflag:s29] =	ssyncset.done $0x0  }
0x12: {  	s30 =	rddreg [dreg:$0x4];
	[sflag:s29] =	ssyncadd.s32 $0xFFFFF000  }
0x13: {  	[tilespmem:s11], [sflag:$0x1] =	stream.linear.gather [hbm4b:s30+s3], $0x400, $0x38;
	[tilespmem:$0x11800] =	vst v63  }
0x14: {  	s20 =	simm.s32 $0x0;
	s31 =	rddreg [dreg:$0x5]  }
0x15: {  	[tilespmem:s12], [sflag:$0x2] =	stream.linear.gather [hbm4b:s31+s3], $0x400, $0x38;
	[tilespmem:$0x11800] =	vst v63  }
.LBB2_2:
0x16: {  	p0 =	seq.s32 s20, $0x0  }
0x17: {  	s0 =	simm.s32 @!p0 $0x3  }
0x18: {  	_ =	swait.ge @!p0 [sflag:s0], $0x8000  }
0x19: {  	[sflag:s0] =	ssyncset.done @!p0 $0x0  }
0x1a: {  	s22 =	simm.s32 $0x0;
	[sflag:s0] =	ssyncadd.s32 @!p0 $0xFFFF8000  }
0x1b: {  	s1 =	sand.u32 $0x60, s22;
	_ =	swait.ge [sflag:s13], $0x400  }
0x1c: {  	s2 =	sand.u32 $0x780, s22;
	s5 =	sor.u32 $0x10, s1;
	[sflag:s13] =	ssyncset.done $0x0  }
0x1d: {  	s2 =	sor.u32 s5, s2;
	[sflag:s13] =	ssyncadd.s32 $0xFFFFFC00  }
0x1e: {  	v5 =	vld [tilespmem:s2+$0x0]  }
0x1f: {  	v6 =	vld [tilespmem:s22+$0x0];
	_ =	sdelay $0x6  }
0x20: {  	v0 =	vld.idx.msk [tilespmem:v5+s11+$0x0], $0xffff  }
0x21: {  	s9 =	sand.u32 $0x3C00, s22;
	v1 =	vld.idx.msk [tilespmem:v6+s11+$0x0], $0xffff  }
0x22: {  	s4 =	simm.s32 $0x20;
	s2 =	sadd.s32 $0x1800, s9;
	v2 =	vadd.s32 $0x80, v5  }
0x23: {  	s0 =	sor.u32 s5, s2;
	s5 =	sand.u32 $0x60, s4;
	v3 =	vadd.s32 $0x80, v6  }
0x24: {  	s9 =	sand.u32 $0x780, s4;
	s10 =	sor.u32 $0x10, s5  }
0x25: {  	s1 =	sor.u32 s1, s2;
	s9 =	sor.u32 s10, s9;
	[tilespmem:s0+$0x0] =	vst v0  }
0x26: {  	[tilespmem:s1+$0x0] =	vst v1;
	v1 =	vld [tilespmem:s9+$0x0]  }
0x27: {  	v2 =	vld.idx.msk [tilespmem:v2+s11+$0x0], $0xffff  }
0x28: {  	v4 =	vadd.s32 $0x100, v5;
	v3 =	vld.idx.msk [tilespmem:v3+s11+$0x0], $0xffff  }
0x29: {  	v7 =	vadd.s32 $0x100, v6;
	v0 =	vld [tilespmem:s4+$0x0];
	_ =	sdelay $0x2  }
0x2a: {  	[tilespmem:s0+$0x80] =	vst v2  }
0x2b: {  	[tilespmem:s1+$0x80] =	vst v3;
	v2 =	vld.idx.msk [tilespmem:v4+s11+$0x0], $0xffff  }
0x2c: {  	v3 =	vld.idx.msk [tilespmem:v7+s11+$0x0], $0xffff;
	v4 =	vadd.s32 $0x180, v5  }
0x2d: {  	v7 =	vadd.s32 $0x180, v6  }
0x2e: {  	v8 =	vld.idx.msk [tilespmem:v1+s11+$0x0], $0xffff  }
0x2f: {  	s23 =	simm.s32 $0x100;
	s18 =	simm.s32 $0x40;
	v10 =	vadd.s32 $0x80, v1;
	v9 =	vld.idx.msk [tilespmem:v0+s11+$0x0], $0xffff  }
0x30: {  	s17 =	sand.u32 $0x3C00, s23;
	s19 =	sand.u32 $0x60, s18;
	v11 =	vadd.s32 $0x80, v0;
	[tilespmem:s0+$0x100] =	vst v2;
	v2 =	vld [tilespmem:s18+$0x0]  }
0x31: {  	s26 =	sand.u32 $0x780, s18;
	s21 =	sor.u32 $0x10, s19;
	s4 =	sadd.s32 $0x1800, s17;
	[tilespmem:s1+$0x100] =	vst v3;
	v4 =	vld.idx.msk [tilespmem:v4+s11+$0x0], $0xffff  }
0x32: {  	v12 =	vadd.s32 $0x200, v5;
	s29 =	sor.u32 s10, s4;
	s25 =	sor.u32 s5, s4;
	s5 =	sor.u32 s21, s26;
	v7 =	vld.idx.msk [tilespmem:v7+s11+$0x0], $0xffff  }
0x33: {  	v3 =	vld [tilespmem:s5+$0x0];
	[tilespmem:s29+$0x0] =	vst v8;
	v8 =	vadd.s32 $0x200, v6  }
0x34: {  	[tilespmem:s25+$0x0] =	vst v9;
	v9 =	vld.idx.msk [tilespmem:v10+s11+$0x0], $0xffff  }
0x35: {  	v10 =	vld.idx.msk [tilespmem:v11+s11+$0x0], $0xffff;
	v11 =	vadd.s32 $0x100, v1  }
0x36: {  	[tilespmem:s0+$0x180] =	vst v4  }
0x37: {  	v4 =	vadd.s32 $0x100, v0;
	[tilespmem:s1+$0x180] =	vst v7;
	v12 =	vld.idx.msk [tilespmem:v12+s11+$0x0], $0xffff  }
0x38: {  	v8 =	vld.idx.msk [tilespmem:v8+s11+$0x0], $0xffff  }
0x39: {  	v7 =	vadd.s32 $0x280, v5;
	[tilespmem:s29+$0x80] =	vst v9  }
0x3a: {  	[tilespmem:s25+$0x80] =	vst v10;
	v10 =	vadd.s32 $0x280, v6;
	v9 =	vld.idx.msk [tilespmem:v11+s11+$0x0], $0xffff  }
0x3b: {  	v11 =	vadd.s32 $0x180, v1;
	v13 =	vld.idx.msk [tilespmem:v2+s11+$0x0], $0xffff  }
0x3c: {  	s24 =	simm.s32 $0x200;
	v4 =	vld.idx.msk [tilespmem:v4+s11+$0x0], $0xffff;
	[tilespmem:s0+$0x200] =	vst v12  }
0x3d: {  	s9 =	sand.u32 $0x3C00, s24;
	v12 =	vadd.s32 $0x180, v0;
	[tilespmem:s1+$0x200] =	vst v8;
	v8 =	vld.idx.msk [tilespmem:v3+s11+$0x0], $0xffff  }
0x3e: {  	s5 =	sadd.s32 $0x1800, s9;
	v15 =	vadd.s32 $0x80, v3;
	v7 =	vld.idx.msk [tilespmem:v7+s11+$0x0], $0xffff  }
0x3f: {  	v14 =	vadd.s32 $0x300, v5;
	s26 =	sor.u32 s19, s5;
	v10 =	vld.idx.msk [tilespmem:v10+s11+$0x0], $0xffff;
	[tilespmem:s29+$0x100] =	vst v9  }
0x40: {  	s31 =	simm.s32 $0x60;
	v9 =	vadd.s32 $0x80, v2;
	[tilespmem:s26+$0x0] =	vst v13;
	v11 =	vld.idx.msk [tilespmem:v11+s11+$0x0], $0xffff  }
0x41: {  	v16 =	vadd.s32 $0x200, v1;
	s28 =	sor.u32 s21, s5;
	[tilespmem:s25+$0x100] =	vst v4;
	v4 =	vld [tilespmem:s31+$0x0]  }
0x42: {  	v12 =	vld.idx.msk [tilespmem:v12+s11+$0x0], $0xffff;
	[tilespmem:s28+$0x0] =	vst v8  }
0x43: {  	[tilespmem:s0+$0x280] =	vst v7;
	v7 =	vadd.s32 $0x200, v0;
	v13 =	vld.idx.msk [tilespmem:v15+s11+$0x0], $0xffff  }
0x44: {  	s0 =	sand.u32 $0x60, s31;
	v8 =	vld.idx.msk [tilespmem:v14+s11+$0x0], $0xffff;
	v14 =	vadd.s32 $0x300, v6  }
0x45: {  	s17 =	sand.u32 $0x780, s31;
	s10 =	sand.u32 $0x3, s22;
	v9 =	vld.idx.msk [tilespmem:v9+s11+$0x0], $0xffff;
	s2 =	sor.u32 $0x10, s0;
	[tilespmem:s29+$0x180] =	vst v11;
	v11 =	vadd.s32 $0x100, v3  }
0x46: {  	s4 =	sshll.u32 s10, $0x5;
	s5 =	sor.u32 s2, s17;
	v16 =	vld.idx.msk [tilespmem:v16+s11+$0x0], $0xffff  }
0x47: {  	s4 =	sadd.s32 $0x0, s4;
	v15 =	vadd.s32 $0x380, v5;
	v5 =	vld [tilespmem:s5+$0x0];
	[tilespmem:s25+$0x180] =	vst v12  }
0x48: {  	s18 =	sadd.s32 $0x10, s4;
	[tilespmem:s1+$0x280] =	vst v10;
	v12 =	vadd.s32 $0x100, v2;
	v7 =	vld.idx.msk [tilespmem:v7+s11+$0x0], $0xffff  }
0x49: {  	v17 =	vadd.s32 $0x280, v1;
	s19 =	sor.u32 $0x300, s18;
	[tilespmem:s28+$0x80] =	vst v13;
	v14 =	vld.idx.msk [tilespmem:v14+s11+$0x0], $0xffff  }
0x4a: {  	[tilespmem:s19+$0x1800] =	vst v8;
	v8 =	vld.idx.msk [tilespmem:v11+s11+$0x0], $0xffff  }
0x4b: {  	v11 =	vadd.s32 $0x280, v0;
	v10 =	vld.idx.msk [tilespmem:v4+s11+$0x0], $0xffff  }
0x4c: {  	v6 =	vadd.s32 $0x380, v6;
	[tilespmem:s26+$0x80] =	vst v9;
	v15 =	vld.idx.msk [tilespmem:v15+s11+$0x0], $0xffff  }
0x4d: {  	v18 =	vadd.s32 $0x180, v3;
	[tilespmem:s29+$0x200] =	vst v16;
	v12 =	vld.idx.msk [tilespmem:v12+s11+$0x0], $0xffff  }
0x4e: {  	s21 =	sor.u32 $0x300, s4;
	v16 =	vadd.s32 $0x180, v2;
	v9 =	vld.idx.msk [tilespmem:v17+s11+$0x0], $0xffff;
	[tilespmem:s25+$0x200] =	vst v7  }
0x4f: {  	v13 =	vld.idx.msk [tilespmem:v5+s11+$0x0], $0xffff;
	[tilespmem:s21+$0x1800] =	vst v14  }
0x50: {  	s30 =	simm.s32 $0x300;
	s9 =	sor.u32 $0x380, s18;
	v7 =	vld.idx.msk [tilespmem:v11+s11+$0x0], $0xffff;
	[tilespmem:s28+$0x100] =	vst v8;
	v8 =	vadd.s32 $0x300, v1  }
0x51: {  	s10 =	sand.u32 $0x3C00, s30;
	v14 =	vadd.s32 $0x80, v5;
	v6 =	vld.idx.msk [tilespmem:v6+s11+$0x0], $0xffff;
	[tilespmem:s9+$0x1800] =	vst v15  }
0x52: {  	s1 =	sor.u32 $0x380, s4;
	s4 =	sadd.s32 $0x1800, s10;
	v11 =	vld.idx.msk [tilespmem:v18+s11+$0x0], $0xffff;
	v15 =	vadd.s32 $0x80, v4;
	[tilespmem:s26+$0x100] =	vst v12  }
0x53: {  	s5 =	simm.s32 $0x6;
	s21 =	sshll.u32 s20, $0x8;
	s9 =	simm.s32 $0x80;
	v12 =	vld.idx.msk [tilespmem:v16+s11+$0x0], $0xffff  }
.LBB2_3:
0x54: {  	v16 =	vld [tilespmem:s9+$0x0];
	s10 =	sor.u32 s2, s4;
	s31 =	sadd.s32 $0x20, s31;
	v17 =	vadd.s32 $0x200, v3;
	[tilespmem:s29+$0x280] =	vst v9;
	s22 =	sadd.s32 $0x1, s22  }
0x55: {  	s4 =	sor.u32 s0, s4;
	v9 =	vadd.s32 $0x200, v2;
	s0 =	sand.u32 $0x60, s31;
	[tilespmem:s10+$0x0] =	vst v13;
	s29 =	sand.u32 $0x3, s22;
	v8 =	vld.idx.msk [tilespmem:v8+s11+$0x0], $0xffff  }
0x56: {  	s5 =	sadd.s32 $0x2, s5;
	s17 =	sand.u32 $0x780, s31;
	v13 =	vadd.s32 $0x300, v0;
	s2 =	sor.u32 $0x10, s0;
	[tilespmem:s4+$0x0] =	vst v10;
	v10 =	vld.idx.msk [tilespmem:v14+s11+$0x0], $0xffff  }
0x57: {  	p1 =	slt.u32 s5, $0x7E;
	s29 =	sshll.u32 s29, $0x5;
	s17 =	sor.u32 s2, s17;
	v14 =	vld.idx.msk [tilespmem:v15+s11+$0x0], $0xffff;
	[tilespmem:s25+$0x280] =	vst v7;
	v7 =	vadd.s32 $0x380, v1;
	v1 =	vmov v3;
	v3 =	vmov v5  }
0x58: {  	v5 =	vld [tilespmem:s17+$0x0];
	v15 =	vadd.s32 $0x100, v3;
	[tilespmem:s28+$0x180] =	vst v11;
	s17 =	sadd.s32 s29, s23;
	s29 =	smov.u32 s28;
	s28 =	smov.u32 s10  }
0x59: {  	v11 =	vadd.s32 $0x100, v4;
	[tilespmem:s26+$0x180] =	vst v12;
	v12 =	vld.idx.msk [tilespmem:v17+s11+$0x0], $0xffff;
	s10 =	sor.u32 $0x300, s17;
	s23 =	sor.u32 $0x380, s17;
	s17 =	sadd.s32 $0x10, s17  }
0x5a: {  	s25 =	smov.u32 s26;
	s26 =	smov.u32 s4;
	v9 =	vld.idx.msk [tilespmem:v9+s11+$0x0], $0xffff;
	s18 =	sor.u32 $0x300, s17;
	[tilespmem:s1+$0x1800] =	vst v6  }
0x5b: {  	v6 =	vadd.s32 $0x280, v1;
	s1 =	smov.u32 s23;
	s23 =	smov.u32 s24;
	s24 =	smov.u32 s30;
	v17 =	vld.idx.msk [tilespmem:v13+s11+$0x0], $0xffff;
	[tilespmem:s18+$0x1800] =	vst v8  }
0x5c: {  	[tilespmem:s28+$0x80] =	vst v10;
	v18 =	vld.idx.msk [tilespmem:v7+s11+$0x0], $0xffff  }
0x5d: {  	v7 =	vadd.s32 $0x280, v2;
	[tilespmem:s26+$0x80] =	vst v14;
	v15 =	vld.idx.msk [tilespmem:v15+s11+$0x0], $0xffff  }
0x5e: {  	v19 =	vadd.s32 $0x380, v0;
	v0 =	vmovc v2;
	v2 =	vmov v4;
	v4 =	vmov v16;
	v11 =	vld.idx.msk [tilespmem:v11+s11+$0x0], $0xffff  }
0x5f: {  	v10 =	vld.idx.msk [tilespmem:v16+s11+$0x0], $0xffff;
	v16 =	vadd.s32 $0x180, v3;
	[tilespmem:s29+$0x200] =	vst v12  }
0x60: {  	v12 =	vadd.s32 $0x180, v2;
	[tilespmem:s25+$0x200] =	vst v9;
	v9 =	vld.idx.msk [tilespmem:v6+s11+$0x0], $0xffff  }
.Ltmp0:
0x61: {  	s4 =	sor.u32 $0x380, s17;
	v13 =	vld.idx.msk [tilespmem:v5+s11+$0x0], $0xffff;
	[tilespmem:s10+$0x1800] =	vst v17;
	(pc) =	sbr.rel @p1 .LBB2_3-.Ltmp0, $4  }
0x62: {  	v8 =	vadd.s32 $0x300, v1;
	v7 =	vld.idx.msk [tilespmem:v7+s11+$0x0], $0xffff;
	[tilespmem:s4+$0x1800] =	vst v18  }
0x63: {  	s30 =	sadd.s32 $0x100, s30;
	v14 =	vadd.s32 $0x80, v5;
	[tilespmem:s28+$0x100] =	vst v15;
	v6 =	vld.idx.msk [tilespmem:v19+s11+$0x0], $0xffff  }
0x64: {  	s4 =	sand.u32 $0x3C00, s30;
	v15 =	vadd.s32 $0x80, v4;
	[tilespmem:s26+$0x100] =	vst v11;
	v11 =	vld.idx.msk [tilespmem:v16+s11+$0x0], $0xffff  }
0x65: {  	s9 =	sadd.s32 $0x20, s9;
	s4 =	sadd.s32 $0x1800, s4;
	v12 =	vld.idx.msk [tilespmem:v12+s11+$0x0], $0xffff  }
0x66: {  	_ =	sdelay $0x1  }
0x67: {  	s2 =	sor.u32 s2, s4  }
0x68: {  	s0 =	sor.u32 s0, s4;
	[tilespmem:s2+$0x0] =	vst v13  }
0x69: {  	[tilespmem:s0+$0x0] =	vst v10;
	v10 =	vld.idx.msk [tilespmem:v14+s11+$0x0], $0xffff  }
0x6a: {  	v13 =	vld.idx.msk [tilespmem:v15+s11+$0x0], $0xffff;
	v14 =	vadd.s32 $0x100, v5  }
0x6b: {  	v15 =	vadd.s32 $0x100, v4;
	_ =	sdelay $0x2  }
0x6c: {  	[tilespmem:s2+$0x80] =	vst v10  }
0x6d: {  	[tilespmem:s0+$0x80] =	vst v13;
	v10 =	vld.idx.msk [tilespmem:v14+s11+$0x0], $0xffff  }
0x6e: {  	v13 =	vld.idx.msk [tilespmem:v15+s11+$0x0], $0xffff;
	v14 =	vadd.s32 $0x180, v5  }
0x6f: {  	v15 =	vadd.s32 $0x180, v4;
	_ =	sdelay $0x2  }
0x70: {  	v16 =	vadd.s32 $0x200, v3;
	[tilespmem:s2+$0x100] =	vst v10  }
0x71: {  	v10 =	vadd.s32 $0x200, v2;
	[tilespmem:s0+$0x100] =	vst v13;
	v13 =	vld.idx.msk [tilespmem:v14+s11+$0x0], $0xffff  }
0x72: {  	v14 =	vld.idx.msk [tilespmem:v15+s11+$0x0], $0xffff;
	v15 =	vadd.s32 $0x200, v5  }
0x73: {  	v17 =	vadd.s32 $0x200, v4  }
0x74: {  	[tilespmem:s28+$0x180] =	vst v11  }
0x75: {  	[tilespmem:s26+$0x180] =	vst v12;
	v11 =	vld.idx.msk [tilespmem:v16+s11+$0x0], $0xffff  }
0x76: {  	v12 =	vadd.s32 $0x280, v3;
	v10 =	vld.idx.msk [tilespmem:v10+s11+$0x0], $0xffff;
	[tilespmem:s2+$0x180] =	vst v13  }
0x77: {  	v13 =	vadd.s32 $0x280, v2;
	[tilespmem:s0+$0x180] =	vst v14;
	v14 =	vld.idx.msk [tilespmem:v15+s11+$0x0], $0xffff  }
0x78: {  	v16 =	vadd.s32 $0x280, v5;
	v15 =	vld.idx.msk [tilespmem:v17+s11+$0x0], $0xffff  }
0x79: {  	[tilespmem:s29+$0x280] =	vst v9;
	v9 =	vadd.s32 $0x280, v4  }
0x7a: {  	[tilespmem:s28+$0x200] =	vst v11  }
0x7b: {  	v11 =	vadd.s32 $0x300, v0;
	[tilespmem:s26+$0x200] =	vst v10;
	v10 =	vld.idx.msk [tilespmem:v12+s11+$0x0], $0xffff  }
0x7c: {  	v12 =	vld.idx.msk [tilespmem:v13+s11+$0x0], $0xffff;
	v13 =	vadd.s32 $0x300, v3;
	[tilespmem:s2+$0x200] =	vst v14  }
0x7d: {  	v14 =	vadd.s32 $0x300, v2;
	[tilespmem:s0+$0x200] =	vst v15;
	v15 =	vld.idx.msk [tilespmem:v16+s11+$0x0], $0xffff  }
0x7e: {  	s19 =	sadd.s32 $0x1, s22;
	[tilespmem:s25+$0x280] =	vst v7;
	v7 =	vld.idx.msk [tilespmem:v9+s11+$0x0], $0xffff;
	v9 =	vadd.s32 $0x300, v5  }
0x7f: {  	s5 =	sand.u32 $0x3, s19;
	v8 =	vld.idx.msk [tilespmem:v8+s11+$0x0], $0xffff;
	[tilespmem:s1+$0x1800] =	vst v6;
	v6 =	vadd.s32 $0x300, v4  }
0x80: {  	v1 =	vadd.s32 $0x380, v1;
	s4 =	sadd.s32 $0x1, s19;
	s22 =	sshll.u32 s5, $0x5;
	v11 =	vld.idx.msk [tilespmem:v11+s11+$0x0], $0xffff;
	[tilespmem:s28+$0x280] =	vst v10  }
0x81: {  	s25 =	sand.u32 $0x3, s4;
	s1 =	sadd.s32 s22, s23;
	v0 =	vadd.s32 $0x380, v0;
	v10 =	vld.idx.msk [tilespmem:v13+s11+$0x0], $0xffff;
	[tilespmem:s26+$0x280] =	vst v12  }
0x82: {  	s10 =	sadd.s32 $0x1, s4;
	s5 =	sshll.u32 s25, $0x5;
	s9 =	sadd.s32 $0x10, s1;
	v3 =	vadd.s32 $0x380, v3;
	v12 =	vld.idx.msk [tilespmem:v14+s11+$0x0], $0xffff;
	[tilespmem:s2+$0x280] =	vst v15  }
0x83: {  	s5 =	sadd.s32 s5, s24;
	s17 =	sor.u32 $0x300, s9;
	v2 =	vadd.s32 $0x380, v2;
	s2 =	sand.u32 $0x3, s10;
	[tilespmem:s0+$0x280] =	vst v7;
	v9 =	vld.idx.msk [tilespmem:v9+s11+$0x0], $0xffff  }
0x84: {  	s18 =	sor.u32 $0x300, s1;
	s19 =	sadd.s32 $0x10, s5;
	[tilespmem:s17+$0x1800] =	vst v8;
	v5 =	vadd.s32 $0x380, v5;
	s2 =	sshll.u32 s2, $0x5;
	v6 =	vld.idx.msk [tilespmem:v6+s11+$0x0], $0xffff  }
0x85: {  	s22 =	sor.u32 $0x300, s19;
	v1 =	vld.idx.msk [tilespmem:v1+s11+$0x0], $0xffff;
	v4 =	vadd.s32 $0x380, v4;
	[tilespmem:s18+$0x1800] =	vst v11;
	s2 =	sadd.s32 s2, s30  }
0x86: {  	v0 =	vld.idx.msk [tilespmem:v0+s11+$0x0], $0xffff;
	s10 =	sor.u32 $0x300, s5;
	[tilespmem:s22+$0x1800] =	vst v10;
	s23 =	sadd.s32 $0x10, s2  }
0x87: {  	v3 =	vld.idx.msk [tilespmem:v3+s11+$0x0], $0xffff;
	[tilespmem:s10+$0x1800] =	vst v12;
	s24 =	sor.u32 $0x300, s23  }
0x88: {  	s17 =	sor.u32 $0x300, s2;
	v2 =	vld.idx.msk [tilespmem:v2+s11+$0x0], $0xffff;
	[tilespmem:s24+$0x1800] =	vst v9  }
0x89: {  	s9 =	sor.u32 $0x380, s9;
	[tilespmem:s17+$0x1800] =	vst v6;
	v5 =	vld.idx.msk [tilespmem:v5+s11+$0x0], $0xffff  }
0x8a: {  	s1 =	sor.u32 $0x380, s1;
	[tilespmem:s9+$0x1800] =	vst v1;
	v1 =	vld.idx.msk [tilespmem:v4+s11+$0x0], $0xffff  }
0x8b: {  	s25 =	sor.u32 $0x380, s19;
	[tilespmem:s1+$0x1800] =	vst v0  }
0x8c: {  	s26 =	sor.u32 $0x380, s5;
	[tilespmem:s25+$0x1800] =	vst v3  }
0x8d: {  	p1 =	seq.s32 s20, $0x1F;
	s0 =	sor.u32 $0x380, s23;
	[tilespmem:s26+$0x1800] =	vst v2  }
0x8e: {  	s1 =	simm.s32 @!p1 $0x0;
	s2 =	sor.u32 $0x380, s2;
	[tilespmem:s0+$0x1800] =	vst v5  }
0x8f: {  	s22 =	sshll.u32 s20, $0xD;
	[tilespmem:s2+$0x1800] =	vst v1;
	s0 =	sadd.s32 @!p1 s21, s6;
	s2 =	simm.s32 @!p1 $0x1000  }
0x90: {  	[tilespmem:s2], [sflag:$0x1] =	stream.linear.gather @!p1 [hbm4b:s0+s1], $0x400, $0x38;
	[tilespmem:$0x11800] =	vst v63  }
0x91: {  	s4 =	sadd.s32 s22, s7;
	s0 =	simm.s32 @!p0 $0x4  }
0x92: {  	[hbm4b:s4+s3] =	stream.linear.scatter [tilespmem:s14], [sflag:$0x3], $0x8000, $0x38;
	[tilespmem:$0x11800] =	vst v63  }
0x93: {  	_ =	swait.ge @!p0 [sflag:s0], $0x8000  }
0x94: {  	[sflag:s0] =	ssyncset.done @!p0 $0x0  }
0x95: {  	s23 =	simm.s32 $0x0;
	[sflag:s0] =	ssyncadd.s32 @!p0 $0xFFFF8000  }
0x96: {  	s5 =	sand.u32 $0x60, s23;
	_ =	swait.ge [sflag:s15], $0x400  }
0x97: {  	s10 =	sand.u32 $0x780, s23;
	s9 =	sor.u32 $0x10, s5;
	[sflag:s15] =	ssyncset.done $0x0  }
0x98: {  	s2 =	sor.u32 s9, s10;
	[sflag:s15] =	ssyncadd.s32 $0xFFFFFC00  }
0x99: {  	v5 =	vld [tilespmem:s2+$0x0]  }
0x9a: {  	v6 =	vld [tilespmem:s23+$0x0];
	_ =	sdelay $0x6  }
0x9b: {  	v0 =	vld.idx.msk [tilespmem:v5+s12+$0x0], $0xffff  }
0x9c: {  	v1 =	vld.idx.msk [tilespmem:v6+s12+$0x0], $0xffff  }
0x9d: {  	s18 =	simm.s32 $0x20;
	s17 =	sand.u32 $0x3C00, s23;
	v2 =	vadd.s32 $0x80, v5  }
0x9e: {  	s19 =	sand.u32 $0x60, s18;
	s2 =	sadd.s32 $0x9800, s17;
	v3 =	vadd.s32 $0x80, v6  }
0x9f: {  	s25 =	sor.u32 $0x10, s19;
	s26 =	sand.u32 $0x780, s18;
	s1 =	sor.u32 s9, s2  }
0xa0: {  	s2 =	sor.u32 s5, s2;
	s9 =	sor.u32 s25, s26;
	[tilespmem:s1+$0x0] =	vst v0  }
0xa1: {  	[tilespmem:s2+$0x0] =	vst v1;
	v1 =	vld [tilespmem:s9+$0x0]  }
0xa2: {  	v2 =	vld.idx.msk [tilespmem:v2+s12+$0x0], $0xffff  }
0xa3: {  	v4 =	vadd.s32 $0x100, v5;
	v3 =	vld.idx.msk [tilespmem:v3+s12+$0x0], $0xffff  }
0xa4: {  	v7 =	vadd.s32 $0x100, v6;
	v0 =	vld [tilespmem:s18+$0x0];
	_ =	sdelay $0x2  }
0xa5: {  	[tilespmem:s1+$0x80] =	vst v2  }
0xa6: {  	[tilespmem:s2+$0x80] =	vst v3;
	v2 =	vld.idx.msk [tilespmem:v4+s12+$0x0], $0xffff  }
0xa7: {  	v3 =	vld.idx.msk [tilespmem:v7+s12+$0x0], $0xffff;
	v4 =	vadd.s32 $0x180, v5  }
0xa8: {  	s24 =	simm.s32 $0x100;
	v7 =	vadd.s32 $0x180, v6  }
0xa9: {  	s10 =	sand.u32 $0x3C00, s24;
	v8 =	vld.idx.msk [tilespmem:v1+s12+$0x0], $0xffff  }
0xaa: {  	s4 =	sadd.s32 $0x9800, s10;
	s17 =	simm.s32 $0x40;
	v10 =	vadd.s32 $0x80, v1;
	v9 =	vld.idx.msk [tilespmem:v0+s12+$0x0], $0xffff  }
0xab: {  	s30 =	sor.u32 s25, s4;
	s18 =	sand.u32 $0x60, s17;
	v11 =	vadd.s32 $0x80, v0;
	[tilespmem:s1+$0x100] =	vst v2;
	v2 =	vld [tilespmem:s17+$0x0]  }
0xac: {  	s26 =	sor.u32 s19, s4;
	s25 =	sand.u32 $0x780, s17;
	s19 =	sor.u32 $0x10, s18;
	[tilespmem:s2+$0x100] =	vst v3;
	v4 =	vld.idx.msk [tilespmem:v4+s12+$0x0], $0xffff  }
0xad: {  	v12 =	vadd.s32 $0x200, v5;
	s0 =	sor.u32 s19, s25;
	v7 =	vld.idx.msk [tilespmem:v7+s12+$0x0], $0xffff  }
0xae: {  	v3 =	vld [tilespmem:s0+$0x0];
	[tilespmem:s30+$0x0] =	vst v8;
	v8 =	vadd.s32 $0x200, v6  }
0xaf: {  	[tilespmem:s26+$0x0] =	vst v9;
	v9 =	vld.idx.msk [tilespmem:v10+s12+$0x0], $0xffff  }
0xb0: {  	v10 =	vld.idx.msk [tilespmem:v11+s12+$0x0], $0xffff;
	v11 =	vadd.s32 $0x100, v1  }
0xb1: {  	[tilespmem:s1+$0x180] =	vst v4  }
0xb2: {  	v4 =	vadd.s32 $0x100, v0;
	[tilespmem:s2+$0x180] =	vst v7;
	v12 =	vld.idx.msk [tilespmem:v12+s12+$0x0], $0xffff  }
0xb3: {  	v8 =	vld.idx.msk [tilespmem:v8+s12+$0x0], $0xffff  }
0xb4: {  	v7 =	vadd.s32 $0x280, v5;
	[tilespmem:s30+$0x80] =	vst v9  }
0xb5: {  	[tilespmem:s26+$0x80] =	vst v10;
	v10 =	vadd.s32 $0x280, v6;
	v9 =	vld.idx.msk [tilespmem:v11+s12+$0x0], $0xffff  }
0xb6: {  	v11 =	vadd.s32 $0x180, v1;
	v13 =	vld.idx.msk [tilespmem:v2+s12+$0x0], $0xffff  }
0xb7: {  	s25 =	simm.s32 $0x200;
	v4 =	vld.idx.msk [tilespmem:v4+s12+$0x0], $0xffff;
	[tilespmem:s1+$0x200] =	vst v12  }
0xb8: {  	s5 =	sand.u32 $0x3C00, s25;
	v12 =	vadd.s32 $0x180, v0;
	[tilespmem:s2+$0x200] =	vst v8;
	v8 =	vld.idx.msk [tilespmem:v3+s12+$0x0], $0xffff  }
0xb9: {  	s9 =	sadd.s32 $0x9800, s5;
	v15 =	vadd.s32 $0x80, v3;
	v7 =	vld.idx.msk [tilespmem:v7+s12+$0x0], $0xffff  }
0xba: {  	v14 =	vadd.s32 $0x300, v5;
	s28 =	sor.u32 s18, s9;
	v10 =	vld.idx.msk [tilespmem:v10+s12+$0x0], $0xffff;
	[tilespmem:s30+$0x100] =	vst v9  }
0xbb: {  	s0 =	simm.s32 $0x60;
	v9 =	vadd.s32 $0x80, v2;
	[tilespmem:s28+$0x0] =	vst v13;
	v11 =	vld.idx.msk [tilespmem:v11+s12+$0x0], $0xffff  }
0xbc: {  	s29 =	sor.u32 s19, s9;
	v16 =	vadd.s32 $0x200, v1;
	[tilespmem:s26+$0x100] =	vst v4;
	v4 =	vld [tilespmem:s0+$0x0]  }
0xbd: {  	v12 =	vld.idx.msk [tilespmem:v12+s12+$0x0], $0xffff;
	[tilespmem:s29+$0x0] =	vst v8  }
0xbe: {  	[tilespmem:s1+$0x280] =	vst v7;
	v7 =	vadd.s32 $0x200, v0;
	v13 =	vld.idx.msk [tilespmem:v15+s12+$0x0], $0xffff  }
0xbf: {  	s1 =	sand.u32 $0x60, s0;
	v8 =	vld.idx.msk [tilespmem:v14+s12+$0x0], $0xffff;
	v14 =	vadd.s32 $0x300, v6  }
0xc0: {  	s17 =	sand.u32 $0x3, s23;
	s18 =	sand.u32 $0x780, s0;
	v9 =	vld.idx.msk [tilespmem:v9+s12+$0x0], $0xffff;
	s5 =	sor.u32 $0x10, s1;
	[tilespmem:s30+$0x180] =	vst v11;
	v11 =	vadd.s32 $0x100, v3  }
0xc1: {  	s4 =	sshll.u32 s17, $0x5;
	s9 =	sor.u32 s5, s18;
	v16 =	vld.idx.msk [tilespmem:v16+s12+$0x0], $0xffff  }
0xc2: {  	s4 =	sadd.s32 $0x0, s4;
	v15 =	vadd.s32 $0x380, v5;
	v5 =	vld [tilespmem:s9+$0x0];
	[tilespmem:s26+$0x180] =	vst v12  }
0xc3: {  	s19 =	sadd.s32 $0x10, s4;
	[tilespmem:s2+$0x280] =	vst v10;
	v12 =	vadd.s32 $0x100, v2;
	v7 =	vld.idx.msk [tilespmem:v7+s12+$0x0], $0xffff  }
0xc4: {  	v17 =	vadd.s32 $0x280, v1;
	s17 =	sor.u32 $0x300, s19;
	[tilespmem:s29+$0x80] =	vst v13;
	v14 =	vld.idx.msk [tilespmem:v14+s12+$0x0], $0xffff  }
0xc5: {  	[tilespmem:s17+$0x9800] =	vst v8;
	v8 =	vld.idx.msk [tilespmem:v11+s12+$0x0], $0xffff  }
0xc6: {  	v11 =	vadd.s32 $0x280, v0;
	v10 =	vld.idx.msk [tilespmem:v4+s12+$0x0], $0xffff  }
0xc7: {  	v6 =	vadd.s32 $0x380, v6;
	[tilespmem:s28+$0x80] =	vst v9;
	v15 =	vld.idx.msk [tilespmem:v15+s12+$0x0], $0xffff  }
0xc8: {  	v18 =	vadd.s32 $0x180, v3;
	[tilespmem:s30+$0x200] =	vst v16;
	v12 =	vld.idx.msk [tilespmem:v12+s12+$0x0], $0xffff  }
0xc9: {  	s18 =	sor.u32 $0x300, s4;
	v16 =	vadd.s32 $0x180, v2;
	v9 =	vld.idx.msk [tilespmem:v17+s12+$0x0], $0xffff;
	[tilespmem:s26+$0x200] =	vst v7  }
0xca: {  	v13 =	vld.idx.msk [tilespmem:v5+s12+$0x0], $0xffff;
	[tilespmem:s18+$0x9800] =	vst v14  }
0xcb: {  	s10 =	sor.u32 $0x380, s19;
	v7 =	vld.idx.msk [tilespmem:v11+s12+$0x0], $0xffff;
	[tilespmem:s29+$0x100] =	vst v8;
	v8 =	vadd.s32 $0x300, v1  }
0xcc: {  	s31 =	simm.s32 $0x300;
	v14 =	vadd.s32 $0x80, v5;
	v6 =	vld.idx.msk [tilespmem:v6+s12+$0x0], $0xffff;
	[tilespmem:s10+$0x9800] =	vst v15  }
0xcd: {  	s19 =	sand.u32 $0x3C00, s31;
	s2 =	sor.u32 $0x380, s4;
	v11 =	vld.idx.msk [tilespmem:v18+s12+$0x0], $0xffff;
	v15 =	vadd.s32 $0x80, v4;
	[tilespmem:s28+$0x100] =	vst v12  }
0xce: {  	s4 =	simm.s32 $0x80;
	s9 =	simm.s32 $0x6;
	s10 =	sadd.s32 $0x9800, s19;
	v12 =	vld.idx.msk [tilespmem:v16+s12+$0x0], $0xffff  }
.LBB2_5:
0xcf: {  	v16 =	vld [tilespmem:s4+$0x0];
	s17 =	sor.u32 s5, s10;
	s0 =	sadd.s32 $0x20, s0;
	v17 =	vadd.s32 $0x200, v3;
	[tilespmem:s30+$0x280] =	vst v9;
	s23 =	sadd.s32 $0x1, s23  }
0xd0: {  	s10 =	sor.u32 s1, s10;
	v9 =	vadd.s32 $0x200, v2;
	s1 =	sand.u32 $0x60, s0;
	[tilespmem:s17+$0x0] =	vst v13;
	s18 =	sand.u32 $0x3, s23;
	v8 =	vld.idx.msk [tilespmem:v8+s12+$0x0], $0xffff  }
0xd1: {  	s9 =	sadd.s32 $0x2, s9;
	s30 =	sand.u32 $0x780, s0;
	v13 =	vadd.s32 $0x300, v0;
	s5 =	sor.u32 $0x10, s1;
	[tilespmem:s10+$0x0] =	vst v10;
	v10 =	vld.idx.msk [tilespmem:v14+s12+$0x0], $0xffff  }
0xd2: {  	p0 =	slt.u32 s9, $0x7E;
	s18 =	sshll.u32 s18, $0x5;
	s30 =	sor.u32 s5, s30;
	v14 =	vld.idx.msk [tilespmem:v15+s12+$0x0], $0xffff;
	[tilespmem:s26+$0x280] =	vst v7;
	v7 =	vadd.s32 $0x380, v1;
	v1 =	vmov v3;
	v3 =	vmov v5  }
0xd3: {  	s18 =	sadd.s32 s18, s24;
	v5 =	vld [tilespmem:s30+$0x0];
	v15 =	vadd.s32 $0x100, v3;
	[tilespmem:s29+$0x180] =	vst v11;
	s30 =	smov.u32 s29;
	s29 =	smov.u32 s17  }
0xd4: {  	v11 =	vadd.s32 $0x100, v4;
	s17 =	sor.u32 $0x300, s18;
	s24 =	sor.u32 $0x380, s18;
	s18 =	sadd.s32 $0x10, s18;
	[tilespmem:s28+$0x180] =	vst v12;
	v12 =	vld.idx.msk [tilespmem:v17+s12+$0x0], $0xffff  }
0xd5: {  	s26 =	smov.u32 s28;
	s19 =	sor.u32 $0x300, s18;
	s28 =	smov.u32 s10;
	v9 =	vld.idx.msk [tilespmem:v9+s12+$0x0], $0xffff;
	[tilespmem:s2+$0x9800] =	vst v6  }
0xd6: {  	v6 =	vadd.s32 $0x280, v1;
	s2 =	smov.u32 s24;
	s24 =	smov.u32 s25;
	s25 =	smov.u32 s31;
	v17 =	vld.idx.msk [tilespmem:v13+s12+$0x0], $0xffff;
	[tilespmem:s19+$0x9800] =	vst v8  }
0xd7: {  	[tilespmem:s29+$0x80] =	vst v10;
	v18 =	vld.idx.msk [tilespmem:v7+s12+$0x0], $0xffff  }
0xd8: {  	v7 =	vadd.s32 $0x280, v2;
	[tilespmem:s28+$0x80] =	vst v14;
	v15 =	vld.idx.msk [tilespmem:v15+s12+$0x0], $0xffff  }
0xd9: {  	v19 =	vadd.s32 $0x380, v0;
	v0 =	vmovc v2;
	v2 =	vmov v4;
	v4 =	vmov v16;
	v11 =	vld.idx.msk [tilespmem:v11+s12+$0x0], $0xffff  }
0xda: {  	v10 =	vld.idx.msk [tilespmem:v16+s12+$0x0], $0xffff;
	v16 =	vadd.s32 $0x180, v3;
	[tilespmem:s30+$0x200] =	vst v12  }
0xdb: {  	v12 =	vadd.s32 $0x180, v2;
	[tilespmem:s26+$0x200] =	vst v9;
	v9 =	vld.idx.msk [tilespmem:v6+s12+$0x0], $0xffff  }
.Ltmp1:
0xdc: {  	s10 =	sor.u32 $0x380, s18;
	v13 =	vld.idx.msk [tilespmem:v5+s12+$0x0], $0xffff;
	[tilespmem:s17+$0x9800] =	vst v17;
	(pc) =	sbr.rel @p0 .LBB2_5-.Ltmp1, $4  }
0xdd: {  	v8 =	vadd.s32 $0x300, v1;
	v7 =	vld.idx.msk [tilespmem:v7+s12+$0x0], $0xffff;
	[tilespmem:s10+$0x9800] =	vst v18  }
0xde: {  	s31 =	sadd.s32 $0x100, s31;
	v14 =	vadd.s32 $0x80, v5;
	[tilespmem:s29+$0x100] =	vst v15;
	v6 =	vld.idx.msk [tilespmem:v19+s12+$0x0], $0xffff  }
0xdf: {  	s10 =	sand.u32 $0x3C00, s31;
	v15 =	vadd.s32 $0x80, v4;
	[tilespmem:s28+$0x100] =	vst v11;
	v11 =	vld.idx.msk [tilespmem:v16+s12+$0x0], $0xffff  }
0xe0: {  	s4 =	sadd.s32 $0x20, s4;
	s10 =	sadd.s32 $0x9800, s10;
	v12 =	vld.idx.msk [tilespmem:v12+s12+$0x0], $0xffff  }
0xe1: {  	_ =	sdelay $0x1  }
0xe2: {  	s4 =	sor.u32 s5, s10  }
0xe3: {  	s0 =	sor.u32 s1, s10;
	[tilespmem:s4+$0x0] =	vst v13  }
0xe4: {  	[tilespmem:s0+$0x0] =	vst v10;
	v33 =	vld.idx.msk [tilespmem:v14+s12+$0x0], $0xffff  }
0xe5: {  	v35 =	vadd.s32 $0x100, v5;
	v34 =	vld.idx.msk [tilespmem:v15+s12+$0x0], $0xffff  }
0xe6: {  	v36 =	vadd.s32 $0x100, v4;
	_ =	sdelay $0x2  }
0xe7: {  	[tilespmem:s4+$0x80] =	vst v33  }
0xe8: {  	[tilespmem:s0+$0x80] =	vst v34;
	v10 =	vld.idx.msk [tilespmem:v35+s12+$0x0], $0xffff  }
0xe9: {  	v37 =	vadd.s32 $0x180, v5;
	v13 =	vld.idx.msk [tilespmem:v36+s12+$0x0], $0xffff  }
0xea: {  	v38 =	vadd.s32 $0x180, v4;
	_ =	sdelay $0x2  }
0xeb: {  	v16 =	vadd.s32 $0x200, v3;
	[tilespmem:s4+$0x100] =	vst v10  }
0xec: {  	v39 =	vadd.s32 $0x200, v2;
	[tilespmem:s0+$0x100] =	vst v13;
	v40 =	vld.idx.msk [tilespmem:v37+s12+$0x0], $0xffff  }
0xed: {  	v42 =	vadd.s32 $0x200, v5;
	v41 =	vld.idx.msk [tilespmem:v38+s12+$0x0], $0xffff  }
0xee: {  	v17 =	vadd.s32 $0x200, v4  }
0xef: {  	[tilespmem:s29+$0x180] =	vst v11  }
0xf0: {  	[tilespmem:s28+$0x180] =	vst v12;
	v11 =	vld.idx.msk [tilespmem:v16+s12+$0x0], $0xffff  }
0xf1: {  	v43 =	vadd.s32 $0x280, v3;
	v10 =	vld.idx.msk [tilespmem:v39+s12+$0x0], $0xffff;
	[tilespmem:s4+$0x180] =	vst v40  }
0xf2: {  	v44 =	vadd.s32 $0x280, v2;
	[tilespmem:s0+$0x180] =	vst v41;
	v45 =	vld.idx.msk [tilespmem:v42+s12+$0x0], $0xffff  }
0xf3: {  	v47 =	vadd.s32 $0x280, v5;
	v46 =	vld.idx.msk [tilespmem:v17+s12+$0x0], $0xffff  }
0xf4: {  	[tilespmem:s30+$0x280] =	vst v9;
	v48 =	vadd.s32 $0x280, v4  }
0xf5: {  	[tilespmem:s29+$0x200] =	vst v11  }
0xf6: {  	v49 =	vadd.s32 $0x300, v0;
	v50 =	vld.idx.msk [tilespmem:v43+s12+$0x0], $0xffff;
	[tilespmem:s28+$0x200] =	vst v10  }
0xf7: {  	v52 =	vadd.s32 $0x300, v3;
	v51 =	vld.idx.msk [tilespmem:v44+s12+$0x0], $0xffff;
	[tilespmem:s4+$0x200] =	vst v45  }
0xf8: {  	v53 =	vadd.s32 $0x300, v2;
	[tilespmem:s0+$0x200] =	vst v46;
	v54 =	vld.idx.msk [tilespmem:v47+s12+$0x0], $0xffff  }
0xf9: {  	s30 =	sadd.s32 $0x1, s23;
	v56 =	vadd.s32 $0x300, v5;
	[tilespmem:s26+$0x280] =	vst v7;
	v55 =	vld.idx.msk [tilespmem:v48+s12+$0x0], $0xffff  }
0xfa: {  	v57 =	vadd.s32 $0x300, v4;
	s9 =	sand.u32 $0x3, s30;
	v8 =	vld.idx.msk [tilespmem:v8+s12+$0x0], $0xffff;
	[tilespmem:s2+$0x9800] =	vst v6  }
0xfb: {  	v1 =	vadd.s32 $0x380, v1;
	s1 =	sadd.s32 $0x1, s30;
	s10 =	sshll.u32 s9, $0x5;
	v11 =	vld.idx.msk [tilespmem:v49+s12+$0x0], $0xffff;
	[tilespmem:s29+$0x280] =	vst v50  }
0xfc: {  	v58 =	vadd.s32 $0x380, v0;
	s17 =	sand.u32 $0x3, s1;
	s2 =	sadd.s32 s10, s24;
	v10 =	vld.idx.msk [tilespmem:v52+s12+$0x0], $0xffff;
	[tilespmem:s28+$0x280] =	vst v51  }
0xfd: {  	v59 =	vadd.s32 $0x380, v3;
	s1 =	sadd.s32 $0x1, s1;
	s5 =	sshll.u32 s17, $0x5;
	s9 =	sadd.s32 $0x10, s2;
	v12 =	vld.idx.msk [tilespmem:v53+s12+$0x0], $0xffff;
	[tilespmem:s4+$0x280] =	vst v54  }
0xfe: {  	v60 =	vadd.s32 $0x380, v2;
	s1 =	sand.u32 $0x3, s1;
	s5 =	sadd.s32 s5, s25;
	s18 =	sor.u32 $0x300, s9;
	[tilespmem:s0+$0x280] =	vst v55;
	v9 =	vld.idx.msk [tilespmem:v56+s12+$0x0], $0xffff  }
0xff: {  	v61 =	vadd.s32 $0x380, v5;
	s19 =	sor.u32 $0x300, s2;
	s1 =	sshll.u32 s1, $0x5;
	s23 =	sadd.s32 $0x10, s5;
	[tilespmem:s18+$0x9800] =	vst v8;
	v6 =	vld.idx.msk [tilespmem:v57+s12+$0x0], $0xffff  }
0x100: {  	v62 =	vadd.s32 $0x380, v4;
	s1 =	sadd.s32 s1, s31;
	s24 =	sor.u32 $0x300, s23;
	v1 =	vld.idx.msk [tilespmem:v1+s12+$0x0], $0xffff;
	[tilespmem:s19+$0x9800] =	vst v11  }
0x101: {  	s25 =	sor.u32 $0x300, s5;
	s26 =	sadd.s32 $0x10, s1;
	v0 =	vld.idx.msk [tilespmem:v58+s12+$0x0], $0xffff;
	[tilespmem:s24+$0x9800] =	vst v10  }
0x102: {  	v3 =	vld.idx.msk [tilespmem:v59+s12+$0x0], $0xffff;
	s28 =	sor.u32 $0x300, s26;
	[tilespmem:s25+$0x9800] =	vst v12  }
0x103: {  	s17 =	sor.u32 $0x300, s1;
	v2 =	vld.idx.msk [tilespmem:v60+s12+$0x0], $0xffff;
	[tilespmem:s28+$0x9800] =	vst v9  }
0x104: {  	s9 =	sor.u32 $0x380, s9;
	[tilespmem:s17+$0x9800] =	vst v6;
	v5 =	vld.idx.msk [tilespmem:v61+s12+$0x0], $0xffff  }
0x105: {  	s2 =	sor.u32 $0x380, s2;
	[tilespmem:s9+$0x9800] =	vst v1;
	v63 =	vld.idx.msk [tilespmem:v62+s12+$0x0], $0xffff  }
0x106: {  	s29 =	sor.u32 $0x380, s23;
	[tilespmem:s2+$0x9800] =	vst v0  }
0x107: {  	s20 =	sadd.s32 $0x1, s20;
	s30 =	sor.u32 $0x380, s5;
	[tilespmem:s29+$0x9800] =	vst v3  }
0x108: {  	p0 =	sne.s32 s20, $0x20;
	s0 =	sor.u32 $0x380, s26;
	[tilespmem:s30+$0x9800] =	vst v2  }
.Ltmp2:
0x109: {  	s31 =	sor.u32 $0x1000, s22;
	s1 =	sor.u32 $0x380, s1;
	[tilespmem:s0+$0x9800] =	vst v5;
	(pc) =	sbr.rel @p0 .LBB2_2-.Ltmp2, $4  }
0x10a: {  	s2 =	simm.s32 @!p1 $0x0;
	s4 =	simm.s32 @!p1 $0x1400;
	[tilespmem:s1+$0x9800] =	vst v63;
	s1 =	sadd.s32 @!p1 s21, s8  }
0x10b: {  	[tilespmem:s4], [sflag:$0x2] =	stream.linear.gather @!p1 [hbm4b:s1+s2], $0x400, $0x38;
	[tilespmem:$0x11800] =	vst v63  }
0x10c: {  	s0 =	sadd.s32 s31, s7  }
0x10d: {  	[hbm4b:s0+s3] =	stream.linear.scatter [tilespmem:s16], [sflag:$0x4], $0x8000, $0x38;
	[tilespmem:$0x11800] =	vst v63  }
0x10e: {  	s0 =	simm.s32 $0x3  }
0x10f: {  	_ =	swait.ge [sflag:s0], $0x8000  }
0x110: {  	[sflag:s0] =	ssyncset.done $0x0  }
0x111: {  	s1 =	simm.s32 $0x4;
	[sflag:s0] =	ssyncadd.s32 $0xFFFF8000  }
0x112: {  	_ =	swait.ge [sflag:s1], $0x8000  }
0x113: {  	s2 =	rddreg [dreg:$0x7]  }
0x114: {  	s31 =	rddreg [dreg:$0x6];
	s2 =	sadd.s32 $0x1, s2  }
0x115: {  	p0 =	sne.s32 s2, s31  }
.Ltmp3:
0x116: {  	_ = 	snop;
	(pc) =	sbr.rel @p0 .LBB2_1-.Ltmp3, $3  }
0x117: {  	_ =	sdelay $0x1  }
0x118: {  	[sflag:s1] =	ssyncset.done $0x0  }
0x119: {  	[sflag:s1] =	ssyncadd.s32 $0xFFFF8000  }
0x11a: {  	_ =	sfence.sel $0x180000  }
0x11b: {  	[bflag:$0x0] =	sbarrier.arrive $0xFFFF  }
0x11c: {  	_ =	strace $0x90000047  }
0x11d: {  	s0 =	stileid.u32;
	[bflag:$0x2] =	sbarrier.arrive $0xFFFF  }
0x11e: {  	p0 =	sne.s32 s0, $0x0;
	s0 =	rddreg [dreg:$0x3]  }
0x11f: {  	s0 =	sadd.s32 @!p0 $0x100000, s0  }
0x120: {  	[sflag:s0] =	ssyncadd.tile.s32 @!p0 $0x1;
	_ =	shalt  }
.Lfunc_end2:
_tile_overlayer_lowered:
.L_overlay_start_2:
0x121: {  	(tag) =	ssettag $0x2  }
0x122: {  	s0 =	rddreg [dreg:$0x0];
	s2 =	stileid.u32  }
0x123: {  	s1 =	rddreg [dreg:$0x1];
	p0 =	sne.s32 s2, $0x0  }
0x124: {  	s3 =	rddreg [dreg:$0x2];
	[bflag:$0x3] =	sbarrier.arrive $0xFFFF;
	s2 =	simm.s32 @!p0 $0x1C05  }
0x125: {  	[timem:s3], [sflag:s2] =	dma.local @!p0 [hbm:s0], s1  }
0x126: {  	s0 =	simm.s32 @!p0 $0x5  }
0x127: {  	_ =	swait.ge @!p0 [sflag:s0], s1  }
0x128: {  	s1 =	ssub.s32 @!p0 $0x0, s1;
	[sflag:s0] =	ssyncset.done @!p0 $0x0  }
0x129: {  	[sflag:s0] =	ssyncadd.s32 @!p0 s1  }
0x12a: {  	[bflag:$0x3] =	sbarrier.arrive $0xFFFF  }
0x12b: {  	_ =	shalt  }

</sc_bundles>
